<compile_context>
chip_gen: v7x
topology: tpu7x:2x2x1
jax: 0.10.2.dev20260603
libtpu: 0.0.44.dev20260713+nightly
codegen_flags: <defaults>
</compile_context>

<pallas_src>
import functools

import jax
import jax.numpy as jnp
from jax import lax
from jax.experimental import pallas as pl
from jax.experimental.pallas import tpu as pltpu
from jax.experimental.pallas import tpu_sc as plsc

N = 10000
F = 256
FH = 128
E = 160000
NC = 2
NS = 16
CHUNK = 128
CH = 80
E_TILE = CH * CHUNK
E_PAD = NS * E_TILE
NPAD = 10112
ZROWS = NPAD // NS
OROWS = 624
TAIL = N - NS * OROWS

NBUF = 2
PH = CH // 2


def _sc_body(x2, srcg, dstg, zrow, zcnt, agg_a, agg_b, cnt_a, cnt_b,
             idx_v, rows_v, ones_v, stage_v, agg_s, cnt_s,
             gsem0, gsem1, ssem0, ssem1):
    gsems = (gsem0, gsem1)
    ssems = (ssem0, ssem1)
    c = lax.axis_index("c")
    s = lax.axis_index("s")

    def load_idx(p):
        pltpu.sync_copy(srcg.at[pl.ds((c * NS + s) * CH + p * PH, PH)],
                        idx_v.at[pl.ds(0, PH)])
        pltpu.sync_copy(dstg.at[pl.ds(s * CH + p * PH, PH)],
                        idx_v.at[pl.ds(PH, PH)])

    def gather(l, b):
        pltpu.async_copy(x2.at[idx_v.at[l]], rows_v.at[b], gsems[b])

    def pair(t, lookahead):
        for b in range(2):
            l = 2 * t + b
            pltpu.make_async_copy(x2.at[idx_v.at[l]], rows_v.at[b],
                                  gsems[b]).wait()
            pltpu.sync_copy(rows_v.at[b], agg_s.at[idx_v.at[PH + l]],
                            add=True)
            if lookahead:
                gather(2 * t + b + 2, b)
            @pl.when(c == b)
            def _():
                pltpu.sync_copy(ones_v, cnt_s.at[idx_v.at[PH + l]],
                                add=True)

    load_idx(0)
    gather(0, 0)
    gather(1, 1)
    pltpu.sync_copy(zrow, agg_s.at[pl.ds(s * ZROWS, ZROWS)])
    pltpu.sync_copy(zcnt, stage_v.at[pl.ds(0, ZROWS)])
    pltpu.sync_copy(stage_v.at[pl.ds(0, ZROWS)],
                    cnt_s.at[pl.ds(s * ZROWS, ZROWS)])
    for i in range(CHUNK // 16):
        ones_v[pl.ds(i * 16, 16)] = jnp.ones((16,), jnp.float32)
    plsc.subcore_barrier()

    for p in range(2):
        if p:
            load_idx(p)
            gather(0, 0)
            gather(1, 1)

        @pl.loop(0, PH // 2 - 1)
        def _ring(t):
            pair(t, lookahead=True)

        pair(PH // 2 - 1, lookahead=False)

    plsc.subcore_barrier()

    @pl.when(c == 0)
    def _():
        pltpu.sync_copy(agg_s.at[pl.ds(s * OROWS, OROWS)],
                        agg_a.at[pl.ds(s * OROWS, OROWS)])

        @pl.when(s == NS - 1)
        def _():
            pltpu.sync_copy(agg_s.at[pl.ds(NS * OROWS, TAIL)],
                            agg_a.at[pl.ds(NS * OROWS, TAIL)])

        @pl.when(s < 10)
        def _():
            pltpu.sync_copy(cnt_s.at[pl.ds(s * 1000, 1000)], stage_v)
            pltpu.sync_copy(stage_v, cnt_a.at[pl.ds(s * 1000, 1000)])

    @pl.when(c == 1)
    def _():
        pltpu.sync_copy(agg_s.at[pl.ds(s * OROWS, OROWS)],
                        agg_b.at[pl.ds(s * OROWS, OROWS)])

        @pl.when(s == NS - 1)
        def _():
            pltpu.sync_copy(agg_s.at[pl.ds(NS * OROWS, TAIL)],
                            agg_b.at[pl.ds(NS * OROWS, TAIL)])

        @pl.when(s < 10)
        def _():
            pltpu.sync_copy(cnt_s.at[pl.ds(s * 1000, 1000)], stage_v)
            pltpu.sync_copy(stage_v, cnt_b.at[pl.ds(s * 1000, 1000)])


@functools.lru_cache(maxsize=1)
def _sc_aggregate():
    mesh = plsc.VectorSubcoreMesh(core_axis_name="c", subcore_axis_name="s")
    return pl.kernel(
        _sc_body,
        out_type=(
            jax.ShapeDtypeStruct((N, FH), jnp.float32),
            jax.ShapeDtypeStruct((N, FH), jnp.float32),
            jax.ShapeDtypeStruct((N,), jnp.float32),
            jax.ShapeDtypeStruct((N,), jnp.float32),
        ),
        mesh=mesh,
        scratch_types=(
            pltpu.VMEM((2 * PH, CHUNK), jnp.int32),
            pltpu.VMEM((NBUF, CHUNK, FH), jnp.float32),
            pltpu.VMEM((CHUNK,), jnp.float32),
            pltpu.VMEM((1000,), jnp.float32),
            pltpu.VMEM_SHARED((NPAD, FH), jnp.float32),
            pltpu.VMEM_SHARED((NPAD,), jnp.float32),
            pltpu.SemaphoreType.DMA,
            pltpu.SemaphoreType.DMA,
            pltpu.SemaphoreType.DMA,
            pltpu.SemaphoreType.DMA,
        ),
    )


RB = 1000


def _tc_block(x_ref, aa_ref, ab_ref, ca_ref, cb_ref, wlt_ref, wrt_ref,
              w1t_ref, w2t_ref, bl_ref, b1_ref, b2_ref, g1_ref, bb1_ref,
              g2_ref, bb2_ref, out_ref):
    r = 1.0 / jnp.maximum(ca_ref[...] + cb_ref[...], 1.0)
    x = x_ref[...]
    y = jnp.dot(aa_ref[...] * r, wlt_ref[0:FH, :],
                preferred_element_type=jnp.float32)
    y = y + jnp.dot(ab_ref[...] * r, wlt_ref[FH:F, :],
                    preferred_element_type=jnp.float32)
    y = y + jnp.dot(x, wrt_ref[...], preferred_element_type=jnp.float32)
    z = y + bl_ref[...] + x
    mu = jnp.mean(z, axis=1, keepdims=True)
    zc = z - mu
    var = jnp.mean(zc * zc, axis=1, keepdims=True)
    y1 = zc * lax.rsqrt(var + 1e-5) * g1_ref[...] + bb1_ref[...]
    h = jnp.dot(y1, w1t_ref[...], preferred_element_type=jnp.float32)
    h = h + b1_ref[...]
    h = jnp.where(h > 0.0, h, jnp.exp(jnp.minimum(h, 0.0)) - 1.0)
    o = jnp.dot(h, w2t_ref[...], preferred_element_type=jnp.float32)
    o = o + b2_ref[...] + y1
    mu2 = jnp.mean(o, axis=1, keepdims=True)
    oc = o - mu2
    var2 = jnp.mean(oc * oc, axis=1, keepdims=True)
    out_ref[...] = oc * lax.rsqrt(var2 + 1e-5) * g2_ref[...] + bb2_ref[...]


def _row_spec(w):
    return pl.BlockSpec((RB, w), lambda i: (i, 0))


def _full_spec(h, w):
    return pl.BlockSpec((h, w), lambda i: (0, 0))


_tc_call = pl.pallas_call(
    _tc_block,
    grid=(N // RB,),
    in_specs=[
        _row_spec(F), _row_spec(FH), _row_spec(FH), _row_spec(1),
        _row_spec(1),
        _full_spec(F, F), _full_spec(F, F), _full_spec(F, F),
        _full_spec(F, F),
        _full_spec(1, F), _full_spec(1, F), _full_spec(1, F),
        _full_spec(1, F), _full_spec(1, F), _full_spec(1, F),
        _full_spec(1, F),
    ],
    out_specs=_row_spec(F),
    out_shape=jax.ShapeDtypeStruct((N, F), jnp.float32),
)


def kernel(x, edge_index, W_l, b_l, W_r, ln1_g, ln1_b, W1, b1, W2, b2,
           ln2_g, ln2_b):
    src = edge_index[0].astype(jnp.int32)
    dst = edge_index[1].astype(jnp.int32)
    pad = E_PAD - E
    src_p = jnp.concatenate([2 * src, jnp.zeros((pad,), jnp.int32)])
    dst_p = jnp.concatenate([dst, jnp.full((pad,), N, jnp.int32)])
    srcg = jnp.stack([src_p, src_p + 1]).reshape(NC * NS * CH, CHUNK)
    dstg = dst_p.reshape(NS * CH, CHUNK)
    x2 = x.reshape(2 * N, FH)
    zrow = jnp.zeros((ZROWS, FH), jnp.float32)
    zcnt = jnp.zeros((ZROWS,), jnp.float32)

    agg_a, agg_b, cnt_a, cnt_b = _sc_aggregate()(x2, srcg, dstg, zrow, zcnt)

    return _tc_call(
        x, agg_a, agg_b, cnt_a.reshape(N, 1), cnt_b.reshape(N, 1),
        W_l.T, W_r.T, W1.T, W2.T,
        b_l.reshape(1, F), b1.reshape(1, F), b2.reshape(1, F),
        ln1_g.reshape(1, F), ln1_b.reshape(1, F),
        ln2_g.reshape(1, F), ln2_b.reshape(1, F),
    )

# --- scband reference (transcript-rebuilt; emitter-appended) ---
"""Pipeline reference for scband-gcblock-31344671326427 (READ-ONLY COPY).

The authoritative reference and input builder live on the scoring server;
editing this copy changes nothing except your own understanding.
"""

import jax, jax.numpy as jnp
import numpy as np

N = 10000
E = 160000
F = 256

def _layer_norm(x, g, b, eps=1e-5):
    mu = jnp.mean(x, axis=-1, keepdims=True)
    var = jnp.mean((x - mu) ** 2, axis=-1, keepdims=True)
    return (x - mu) / jnp.sqrt(var + eps) * g + b

def setup_inputs(seed: int = 0) -> dict:
    key = jax.random.key(seed)
    ks = jax.random.split(key, 12)
    s = 1.0 / np.sqrt(F)
    x = jax.random.normal(ks[0], (N, F), dtype=jnp.float32)
    edge_index = jax.random.randint(ks[1], (2, E), 0, N, dtype=jnp.int64)
    W_l = jax.random.uniform(ks[2], (F, F), jnp.float32, -s, s)
    b_l = jax.random.uniform(ks[3], (F,), jnp.float32, -s, s)
    W_r = jax.random.uniform(ks[4], (F, F), jnp.float32, -s, s)
    W1 = jax.random.uniform(ks[5], (F, F), jnp.float32, -s, s)
    b1 = jax.random.uniform(ks[6], (F,), jnp.float32, -s, s)
    W2 = jax.random.uniform(ks[7], (F, F), jnp.float32, -s, s)
    b2 = jax.random.uniform(ks[8], (F,), jnp.float32, -s, s)
    ln1_g = jnp.ones((F,), jnp.float32)
    ln1_b = jnp.zeros((F,), jnp.float32)
    ln2_g = jnp.ones((F,), jnp.float32)
    ln2_b = jnp.zeros((F,), jnp.float32)
    return {"x": x, "edge_index": edge_index, "W_l": W_l, "b_l": b_l, "W_r": W_r,
            "ln1_g": ln1_g, "ln1_b": ln1_b, "W1": W1, "b1": b1, "W2": W2, "b2": b2,
            "ln2_g": ln2_g, "ln2_b": ln2_b}

def reference(x, edge_index, W_l, b_l, W_r, ln1_g, ln1_b, W1, b1, W2, b2, ln2_g, ln2_b):
    src = edge_index[0]
    dst = edge_index[1]
    # SAGEConv with mean aggregation: out = lin_l(mean_j x_j) + lin_r(x_i)
    msg = jnp.take(x, src, axis=0)
    agg = jax.ops.segment_sum(msg, dst, num_segments=x.shape[0])
    cnt = jax.ops.segment_sum(jnp.ones((dst.shape[0],), jnp.float32), dst, num_segments=x.shape[0])
    cnt = jnp.clip(cnt, 1.0, None)
    mean_agg = agg / cnt[:, None]
    y = mean_agg @ W_l.T + b_l + x @ W_r.T
    y1 = _layer_norm(y + x, ln1_g, ln1_b)
    h = y1 @ W1.T + b1
    h = jax.nn.elu(h)
    # dropout is identity in eval/deterministic reference
    h = h @ W2.T + b2
    out = _layer_norm(h + y1, ln2_g, ln2_b)
    return out

if __name__ == "__main__":
    import jax
    _d = setup_inputs()
    print(jax.jit(kernel)(*tuple(_d.values())))

</pallas_src>

<mosaic_0001>
#map = affine_map<(d0, d1) -> (0, 0)>
#map1 = affine_map<(d0, d1) -> (0)>
module attributes {stable_mosaic.version = 14 : i64} {
  func.func @_sc_body(%arg0: i32, %arg1: i32, %arg2: memref<20000x128xf32, #tpu.memory_space<hbm>>, %arg3: memref<2560x128xi32, #tpu.memory_space<hbm>>, %arg4: memref<1280x128xi32, #tpu.memory_space<hbm>>, %arg5: memref<632x128xf32, #tpu.memory_space<hbm>>, %arg6: memref<632xf32, #tpu.memory_space<hbm>>, %arg7: memref<10000x128xf32, #tpu.memory_space<hbm>>, %arg8: memref<10000x128xf32, #tpu.memory_space<hbm>>, %arg9: memref<10000xf32, #tpu.memory_space<hbm>>, %arg10: memref<10000xf32, #tpu.memory_space<hbm>>, %arg11: memref<80x128xi32, #tpu.memory_space<vmem>>, %arg12: memref<2x128x128xf32, #tpu.memory_space<vmem>>, %arg13: memref<128xf32, #tpu.memory_space<vmem>>, %arg14: memref<1000xf32, #tpu.memory_space<vmem>>, %arg15: memref<10112x128xf32, #tpu.memory_space<vmem_shared>>, %arg16: memref<10112xf32, #tpu.memory_space<vmem_shared>>, %arg17: memref<!tpu.dma_semaphore, #tpu.memory_space<semaphore_mem>>, %arg18: memref<!tpu.dma_semaphore, #tpu.memory_space<semaphore_mem>>, %arg19: memref<!tpu.dma_semaphore, #tpu.memory_space<semaphore_mem>>, %arg20: memref<!tpu.dma_semaphore, #tpu.memory_space<semaphore_mem>>) attributes {dimension_semantics = [#tpu.dimension_semantics<core_parallel>, #tpu.dimension_semantics<subcore_parallel>], iteration_bounds = array<i64: 2, 16>, scalar_prefetch = 0 : i64, scratch_operands = 10 : i64, tpu.core_type = #tpu.core_type<sc_vector_subcore>, window_params = [{transform_indices = #map}, {transform_indices = #map}, {transform_indices = #map}, {transform_indices = #map}, {transform_indices = #map1}, {transform_indices = #map}, {transform_indices = #map}, {transform_indices = #map1}, {transform_indices = #map1}]} {
    %mul3A = arith.constant 16 : i32
    %mul3A_0 = arith.muli %arg0, %mul3A : i32
    %add3A = arith.addi %mul3A_0, %arg1 : i32
    %mul3A_1 = arith.constant 80 : i32
    %mul3A_2 = arith.muli %add3A, %mul3A_1 : i32
    %add3A_3 = arith.constant 0 : i32
    %add3A_4 = arith.addi %mul3A_2, %add3A_3 : i32
    "tpu.region"() ({
      %run_scoped3A_208 = tpu.sem_alloc : memref<!tpu.dma_semaphore, #tpu.memory_space<semaphore_mem>>
      %dma_start3A_209 = arith.constant 0 : i32
      %dma_start3A_210 = arith.constant 0 : i32
      %dma_start3A_211 = tpu.memref_slice %arg11[%dma_start3A_209, %dma_start3A_210] : memref<80x128xi32, #tpu.memory_space<vmem>> -> memref<40x128xi32, #tpu.memory_space<vmem>>
      %dma_start3A_212 = arith.constant 0 : i32
      %dma_start3A_213 = tpu.memref_slice %arg3[%add3A_4, %dma_start3A_212] : memref<2560x128xi32, #tpu.memory_space<hbm>> -> memref<40x128xi32, #tpu.memory_space<hbm>>
      %dma_start3A_214 = arith.constant 0 : i32
      %dma_start3A_215 = arith.constant 0 : i32
      %dma_start3A_216 = tpu.memref_slice %arg11[%dma_start3A_214, %dma_start3A_215] : memref<80x128xi32, #tpu.memory_space<vmem>> -> memref<40x128xi32, #tpu.memory_space<vmem>>
      %dma_start3A_217 = arith.constant 0 : i32
      %dma_start3A_218 = tpu.memref_slice %arg3[%add3A_4, %dma_start3A_217] : memref<2560x128xi32, #tpu.memory_space<hbm>> -> memref<40x128xi32, #tpu.memory_space<hbm>>
      tpu.enqueue_dma source(%dma_start3A_218 : memref<40x128xi32, #tpu.memory_space<hbm>>) target(%dma_start3A_216 : memref<40x128xi32, #tpu.memory_space<vmem>>) target_semaphore(%run_scoped3A_208 : memref<!tpu.dma_semaphore, #tpu.memory_space<semaphore_mem>>)
      %dma_wait3A_219 = arith.constant 0 : i32
      %dma_wait3A_220 = arith.constant 0 : i32
      %dma_wait3A_221 = tpu.memref_slice %arg11[%dma_wait3A_219, %dma_wait3A_220] : memref<80x128xi32, #tpu.memory_space<vmem>> -> memref<40x128xi32, #tpu.memory_space<vmem>>
      %dma_wait3A_222 = arith.constant 0 : i32
      %dma_wait3A_223 = tpu.memref_slice %arg3[%add3A_4, %dma_wait3A_222] : memref<2560x128xi32, #tpu.memory_space<hbm>> -> memref<40x128xi32, #tpu.memory_space<hbm>>
      %dma_wait3A_224 = arith.constant 0 : i32
      %dma_wait3A_225 = arith.constant 0 : i32
      %dma_wait3A_226 = tpu.memref_slice %arg11[%dma_wait3A_224, %dma_wait3A_225] : memref<80x128xi32, #tpu.memory_space<vmem>> -> memref<40x128xi32, #tpu.memory_space<vmem>>
      %dma_wait3A_227 = arith.constant 0 : i32
      %dma_wait3A_228 = tpu.memref_slice %arg3[%add3A_4, %dma_wait3A_227] : memref<2560x128xi32, #tpu.memory_space<hbm>> -> memref<40x128xi32, #tpu.memory_space<hbm>>
      tpu.wait_dma2 semaphore(%run_scoped3A_208 : memref<!tpu.dma_semaphore, #tpu.memory_space<semaphore_mem>>) src(%dma_wait3A_228 : memref<40x128xi32, #tpu.memory_space<hbm>>) dst(%dma_wait3A_226 : memref<40x128xi32, #tpu.memory_space<vmem>>)
      tpu.yield
    }) : () -> ()
    %mul3A_5 = arith.constant 80 : i32
    %mul3A_6 = arith.muli %arg1, %mul3A_5 : i32
    %add3A_7 = arith.constant 0 : i32
    %add3A_8 = arith.addi %mul3A_6, %add3A_7 : i32
    "tpu.region"() ({
      %run_scoped3A_208 = tpu.sem_alloc : memref<!tpu.dma_semaphore, #tpu.memory_space<semaphore_mem>>
      %dma_start3A_209 = arith.constant 40 : i32
      %dma_start3A_210 = arith.constant 0 : i32
      %dma_start3A_211 = tpu.memref_slice %arg11[%dma_start3A_209, %dma_start3A_210] : memref<80x128xi32, #tpu.memory_space<vmem>> -> memref<40x128xi32, #tpu.memory_space<vmem>>
      %dma_start3A_212 = arith.constant 0 : i32
      %dma_start3A_213 = tpu.memref_slice %arg4[%add3A_8, %dma_start3A_212] : memref<1280x128xi32, #tpu.memory_space<hbm>> -> memref<40x128xi32, #tpu.memory_space<hbm>>
      %dma_start3A_214 = arith.constant 40 : i32
      %dma_start3A_215 = arith.constant 0 : i32
      %dma_start3A_216 = tpu.memref_slice %arg11[%dma_start3A_214, %dma_start3A_215] : memref<80x128xi32, #tpu.memory_space<vmem>> -> memref<40x128xi32, #tpu.memory_space<vmem>>
      %dma_start3A_217 = arith.constant 0 : i32
      %dma_start3A_218 = tpu.memref_slice %arg4[%add3A_8, %dma_start3A_217] : memref<1280x128xi32, #tpu.memory_space<hbm>> -> memref<40x128xi32, #tpu.memory_space<hbm>>
      tpu.enqueue_dma source(%dma_start3A_218 : memref<40x128xi32, #tpu.memory_space<hbm>>) target(%dma_start3A_216 : memref<40x128xi32, #tpu.memory_space<vmem>>) target_semaphore(%run_scoped3A_208 : memref<!tpu.dma_semaphore, #tpu.memory_space<semaphore_mem>>)
      %dma_wait3A_219 = arith.constant 40 : i32
      %dma_wait3A_220 = arith.constant 0 : i32
      %dma_wait3A_221 = tpu.memref_slice %arg11[%dma_wait3A_219, %dma_wait3A_220] : memref<80x128xi32, #tpu.memory_space<vmem>> -> memref<40x128xi32, #tpu.memory_space<vmem>>
      %dma_wait3A_222 = arith.constant 0 : i32
      %dma_wait3A_223 = tpu.memref_slice %arg4[%add3A_8, %dma_wait3A_222] : memref<1280x128xi32, #tpu.memory_space<hbm>> -> memref<40x128xi32, #tpu.memory_space<hbm>>
      %dma_wait3A_224 = arith.constant 40 : i32
      %dma_wait3A_225 = arith.constant 0 : i32
      %dma_wait3A_226 = tpu.memref_slice %arg11[%dma_wait3A_224, %dma_wait3A_225] : memref<80x128xi32, #tpu.memory_space<vmem>> -> memref<40x128xi32, #tpu.memory_space<vmem>>
      %dma_wait3A_227 = arith.constant 0 : i32
      %dma_wait3A_228 = tpu.memref_slice %arg4[%add3A_8, %dma_wait3A_227] : memref<1280x128xi32, #tpu.memory_space<hbm>> -> memref<40x128xi32, #tpu.memory_space<hbm>>
      tpu.wait_dma2 semaphore(%run_scoped3A_208 : memref<!tpu.dma_semaphore, #tpu.memory_space<semaphore_mem>>) src(%dma_wait3A_228 : memref<40x128xi32, #tpu.memory_space<hbm>>) dst(%dma_wait3A_226 : memref<40x128xi32, #tpu.memory_space<vmem>>)
      tpu.yield
    }) : () -> ()
    %dma_start3A = arith.constant 0 : i32
    %dma_start3A_9 = arith.constant 0 : i32
    %dma_start3A_10 = arith.constant 0 : i32
    %dma_start3A_11 = arith.constant 0 : i32
    %dma_start3A_12 = tpu.memref_slice %arg12[%dma_start3A_9, %dma_start3A_10, %dma_start3A_11] : memref<2x128x128xf32, #tpu.memory_space<vmem>> -> memref<1x128x128xf32, #tpu.memory_space<vmem>>
    %dma_start3A_13 = tpu.memref_squeeze %dma_start3A_12 : memref<1x128x128xf32, #tpu.memory_space<vmem>> -> memref<128x128xf32, #tpu.memory_space<vmem>>
    %dma_start3A_14 = arith.constant 0 : i32
    %dma_start3A_15 = tpu.memref_slice %arg11[%dma_start3A, %dma_start3A_14] : memref<80x128xi32, #tpu.memory_space<vmem>> -> memref<1x128xi32, #tpu.memory_space<vmem>>
    %dma_start3A_16 = tpu.memref_squeeze %dma_start3A_15 : memref<1x128xi32, #tpu.memory_space<vmem>> -> memref<128xi32, #tpu.memory_space<vmem>>
    %dma_start3A_17 = arith.constant 0 : i32
    %dma_start3A_18 = arith.constant 0 : i32
    %dma_start3A_19 = tpu.memref_slice %arg2[%dma_start3A_17, %dma_start3A_18] : memref<20000x128xf32, #tpu.memory_space<hbm>> -> memref<20000x128xf32, #tpu.memory_space<hbm>>
    tpu.enqueue_indirect_dma source(%dma_start3A_19 : memref<20000x128xf32, #tpu.memory_space<hbm>>) target(%dma_start3A_13 : memref<128x128xf32, #tpu.memory_space<vmem>>) offsets(%dma_start3A_16 : memref<128xi32, #tpu.memory_space<vmem>>) semaphore(%arg17 : memref<!tpu.dma_semaphore, #tpu.memory_space<semaphore_mem>>)
    %dma_start3A_20 = arith.constant 1 : i32
    %dma_start3A_21 = arith.constant 1 : i32
    %dma_start3A_22 = arith.constant 0 : i32
    %dma_start3A_23 = arith.constant 0 : i32
    %dma_start3A_24 = tpu.memref_slice %arg12[%dma_start3A_21, %dma_start3A_22, %dma_start3A_23] : memref<2x128x128xf32, #tpu.memory_space<vmem>> -> memref<1x128x128xf32, #tpu.memory_space<vmem>>
    %dma_start3A_25 = tpu.memref_squeeze %dma_start3A_24 : memref<1x128x128xf32, #tpu.memory_space<vmem>> -> memref<128x128xf32, #tpu.memory_space<vmem>>
    %dma_start3A_26 = arith.constant 0 : i32
    %dma_start3A_27 = tpu.memref_slice %arg11[%dma_start3A_20, %dma_start3A_26] : memref<80x128xi32, #tpu.memory_space<vmem>> -> memref<1x128xi32, #tpu.memory_space<vmem>>
    %dma_start3A_28 = tpu.memref_squeeze %dma_start3A_27 : memref<1x128xi32, #tpu.memory_space<vmem>> -> memref<128xi32, #tpu.memory_space<vmem>>
    %dma_start3A_29 = arith.constant 0 : i32
    %dma_start3A_30 = arith.constant 0 : i32
    %dma_start3A_31 = tpu.memref_slice %arg2[%dma_start3A_29, %dma_start3A_30] : memref<20000x128xf32, #tpu.memory_space<hbm>> -> memref<20000x128xf32, #tpu.memory_space<hbm>>
    tpu.enqueue_indirect_dma source(%dma_start3A_31 : memref<20000x128xf32, #tpu.memory_space<hbm>>) target(%dma_start3A_25 : memref<128x128xf32, #tpu.memory_space<vmem>>) offsets(%dma_start3A_28 : memref<128xi32, #tpu.memory_space<vmem>>) semaphore(%arg18 : memref<!tpu.dma_semaphore, #tpu.memory_space<semaphore_mem>>)
    %mul3A_32 = arith.constant 632 : i32
    %mul3A_33 = arith.muli %arg1, %mul3A_32 : i32
    "tpu.region"() ({
      %run_scoped3A_208 = tpu.sem_alloc : memref<!tpu.dma_semaphore, #tpu.memory_space<semaphore_mem>>
      %dma_start3A_209 = arith.constant 0 : i32
      %dma_start3A_210 = tpu.memref_slice %arg15[%mul3A_33, %dma_start3A_209] : memref<10112x128xf32, #tpu.memory_space<vmem_shared>> -> memref<632x128xf32, #tpu.memory_space<vmem_shared>>
      tpu.enqueue_dma source(%arg5 : memref<632x128xf32, #tpu.memory_space<hbm>>) target(%dma_start3A_210 : memref<632x128xf32, #tpu.memory_space<vmem_shared>>) target_semaphore(%run_scoped3A_208 : memref<!tpu.dma_semaphore, #tpu.memory_space<semaphore_mem>>)
      %dma_wait3A_211 = arith.constant 0 : i32
      %dma_wait3A_212 = tpu.memref_slice %arg15[%mul3A_33, %dma_wait3A_211] : memref<10112x128xf32, #tpu.memory_space<vmem_shared>> -> memref<632x128xf32, #tpu.memory_space<vmem_shared>>
      tpu.wait_dma2 semaphore(%run_scoped3A_208 : memref<!tpu.dma_semaphore, #tpu.memory_space<semaphore_mem>>) src(%arg5 : memref<632x128xf32, #tpu.memory_space<hbm>>) dst(%dma_wait3A_212 : memref<632x128xf32, #tpu.memory_space<vmem_shared>>)
      tpu.yield
    }) : () -> ()
    "tpu.region"() ({
      %run_scoped3A_208 = tpu.sem_alloc : memref<!tpu.dma_semaphore, #tpu.memory_space<semaphore_mem>>
      %dma_start3A_209 = arith.constant 0 : i32
      %dma_start3A_210 = tpu.memref_slice %arg14[%dma_start3A_209] : memref<1000xf32, #tpu.memory_space<vmem>> -> memref<632xf32, #tpu.memory_space<vmem>>
      %dma_start3A_211 = arith.constant 0 : i32
      %dma_start3A_212 = tpu.memref_slice %arg14[%dma_start3A_211] : memref<1000xf32, #tpu.memory_space<vmem>> -> memref<632xf32, #tpu.memory_space<vmem>>
      tpu.enqueue_dma source(%arg6 : memref<632xf32, #tpu.memory_space<hbm>>) target(%dma_start3A_212 : memref<632xf32, #tpu.memory_space<vmem>>) target_semaphore(%run_scoped3A_208 : memref<!tpu.dma_semaphore, #tpu.memory_space<semaphore_mem>>)
      %dma_wait3A_213 = arith.constant 0 : i32
      %dma_wait3A_214 = tpu.memref_slice %arg14[%dma_wait3A_213] : memref<1000xf32, #tpu.memory_space<vmem>> -> memref<632xf32, #tpu.memory_space<vmem>>
      %dma_wait3A_215 = arith.constant 0 : i32
      %dma_wait3A_216 = tpu.memref_slice %arg14[%dma_wait3A_215] : memref<1000xf32, #tpu.memory_space<vmem>> -> memref<632xf32, #tpu.memory_space<vmem>>
      tpu.wait_dma2 semaphore(%run_scoped3A_208 : memref<!tpu.dma_semaphore, #tpu.memory_space<semaphore_mem>>) src(%arg6 : memref<632xf32, #tpu.memory_space<hbm>>) dst(%dma_wait3A_216 : memref<632xf32, #tpu.memory_space<vmem>>)
      tpu.yield
    }) : () -> ()
    %mul3A_34 = arith.constant 632 : i32
    %mul3A_35 = arith.muli %arg1, %mul3A_34 : i32
    "tpu.region"() ({
      %run_scoped3A_208 = tpu.sem_alloc : memref<!tpu.dma_semaphore, #tpu.memory_space<semaphore_mem>>
      %dma_start3A_209 = arith.constant 0 : i32
      %dma_start3A_210 = tpu.memref_slice %arg14[%dma_start3A_209] : memref<1000xf32, #tpu.memory_space<vmem>> -> memref<632xf32, #tpu.memory_space<vmem>>
      %dma_start3A_211 = tpu.memref_slice %arg16[%mul3A_35] : memref<10112xf32, #tpu.memory_space<vmem_shared>> -> memref<632xf32, #tpu.memory_space<vmem_shared>>
      %dma_start3A_212 = tpu.memref_slice %arg16[%mul3A_35] : memref<10112xf32, #tpu.memory_space<vmem_shared>> -> memref<632xf32, #tpu.memory_space<vmem_shared>>
      %dma_start3A_213 = arith.constant 0 : i32
      %dma_start3A_214 = tpu.memref_slice %arg14[%dma_start3A_213] : memref<1000xf32, #tpu.memory_space<vmem>> -> memref<632xf32, #tpu.memory_space<vmem>>
      tpu.enqueue_dma source(%dma_start3A_214 : memref<632xf32, #tpu.memory_space<vmem>>) target(%dma_start3A_212 : memref<632xf32, #tpu.memory_space<vmem_shared>>) target_semaphore(%run_scoped3A_208 : memref<!tpu.dma_semaphore, #tpu.memory_space<semaphore_mem>>)
      %dma_wait3A_215 = arith.constant 0 : i32
      %dma_wait3A_216 = tpu.memref_slice %arg14[%dma_wait3A_215] : memref<1000xf32, #tpu.memory_space<vmem>> -> memref<632xf32, #tpu.memory_space<vmem>>
      %dma_wait3A_217 = tpu.memref_slice %arg16[%mul3A_35] : memref<10112xf32, #tpu.memory_space<vmem_shared>> -> memref<632xf32, #tpu.memory_space<vmem_shared>>
      %dma_wait3A_218 = tpu.memref_slice %arg16[%mul3A_35] : memref<10112xf32, #tpu.memory_space<vmem_shared>> -> memref<632xf32, #tpu.memory_space<vmem_shared>>
      %dma_wait3A_219 = arith.constant 0 : i32
      %dma_wait3A_220 = tpu.memref_slice %arg14[%dma_wait3A_219] : memref<1000xf32, #tpu.memory_space<vmem>> -> memref<632xf32, #tpu.memory_space<vmem>>
      tpu.wait_dma2 semaphore(%run_scoped3A_208 : memref<!tpu.dma_semaphore, #tpu.memory_space<semaphore_mem>>) src(%dma_wait3A_220 : memref<632xf32, #tpu.memory_space<vmem>>) dst(%dma_wait3A_218 : memref<632xf32, #tpu.memory_space<vmem_shared>>)
      tpu.yield
    }) : () -> ()
    %broadcast_in_dim3A = arith.constant 1.000000e+00 : f32
    %broadcast_in_dim3A_36 = vector.broadcast %broadcast_in_dim3A : f32 to vector<16xf32>
    %swap3A = arith.constant 0 : index
    %swap3A_37 = tpu.vector_load %arg13[%swap3A] {strides = array<i32>} : memref<128xf32, #tpu.memory_space<vmem>>, vector<16xf32>,
    %swap3A_38 = vector.shape_cast %swap3A_37 : vector<16xf32> to vector<16xf32>
    %swap3A_39 = vector.shape_cast %broadcast_in_dim3A_36 : vector<16xf32> to vector<16xf32>
    tpu.vector_store %arg13[%swap3A], %swap3A_39 {strides = array<i32>} : memref<128xf32, #tpu.memory_space<vmem>>, vector<16xf32>,
    %broadcast_in_dim3A_40 = arith.constant 1.000000e+00 : f32
    %broadcast_in_dim3A_41 = vector.broadcast %broadcast_in_dim3A_40 : f32 to vector<16xf32>
    %swap3A_42 = arith.constant 16 : index
    %swap3A_43 = tpu.vector_load %arg13[%swap3A_42] {strides = array<i32>} : memref<128xf32, #tpu.memory_space<vmem>>, vector<16xf32>,
    %swap3A_44 = vector.shape_cast %swap3A_43 : vector<16xf32> to vector<16xf32>
    %swap3A_45 = vector.shape_cast %broadcast_in_dim3A_41 : vector<16xf32> to vector<16xf32>
    tpu.vector_store %arg13[%swap3A_42], %swap3A_45 {strides = array<i32>} : memref<128xf32, #tpu.memory_space<vmem>>, vector<16xf32>,
    %broadcast_in_dim3A_46 = arith.constant 1.000000e+00 : f32
    %broadcast_in_dim3A_47 = vector.broadcast %broadcast_in_dim3A_46 : f32 to vector<16xf32>
    %swap3A_48 = arith.constant 32 : index
    %swap3A_49 = tpu.vector_load %arg13[%swap3A_48] {strides = array<i32>} : memref<128xf32, #tpu.memory_space<vmem>>, vector<16xf32>,
    %swap3A_50 = vector.shape_cast %swap3A_49 : vector<16xf32> to vector<16xf32>
    %swap3A_51 = vector.shape_cast %broadcast_in_dim3A_47 : vector<16xf32> to vector<16xf32>
    tpu.vector_store %arg13[%swap3A_48], %swap3A_51 {strides = array<i32>} : memref<128xf32, #tpu.memory_space<vmem>>, vector<16xf32>,
    %broadcast_in_dim3A_52 = arith.constant 1.000000e+00 : f32
    %broadcast_in_dim3A_53 = vector.broadcast %broadcast_in_dim3A_52 : f32 to vector<16xf32>
    %swap3A_54 = arith.constant 48 : index
    %swap3A_55 = tpu.vector_load %arg13[%swap3A_54] {strides = array<i32>} : memref<128xf32, #tpu.memory_space<vmem>>, vector<16xf32>,
    %swap3A_56 = vector.shape_cast %swap3A_55 : vector<16xf32> to vector<16xf32>
    %swap3A_57 = vector.shape_cast %broadcast_in_dim3A_53 : vector<16xf32> to vector<16xf32>
    tpu.vector_store %arg13[%swap3A_54], %swap3A_57 {strides = array<i32>} : memref<128xf32, #tpu.memory_space<vmem>>, vector<16xf32>,
    %broadcast_in_dim3A_58 = arith.constant 1.000000e+00 : f32
    %broadcast_in_dim3A_59 = vector.broadcast %broadcast_in_dim3A_58 : f32 to vector<16xf32>
    %swap3A_60 = arith.constant 64 : index
    %swap3A_61 = tpu.vector_load %arg13[%swap3A_60] {strides = array<i32>} : memref<128xf32, #tpu.memory_space<vmem>>, vector<16xf32>,
    %swap3A_62 = vector.shape_cast %swap3A_61 : vector<16xf32> to vector<16xf32>
    %swap3A_63 = vector.shape_cast %broadcast_in_dim3A_59 : vector<16xf32> to vector<16xf32>
    tpu.vector_store %arg13[%swap3A_60], %swap3A_63 {strides = array<i32>} : memref<128xf32, #tpu.memory_space<vmem>>, vector<16xf32>,
    %broadcast_in_dim3A_64 = arith.constant 1.000000e+00 : f32
    %broadcast_in_dim3A_65 = vector.broadcast %broadcast_in_dim3A_64 : f32 to vector<16xf32>
    %swap3A_66 = arith.constant 80 : index
    %swap3A_67 = tpu.vector_load %arg13[%swap3A_66] {strides = array<i32>} : memref<128xf32, #tpu.memory_space<vmem>>, vector<16xf32>,
    %swap3A_68 = vector.shape_cast %swap3A_67 : vector<16xf32> to vector<16xf32>
    %swap3A_69 = vector.shape_cast %broadcast_in_dim3A_65 : vector<16xf32> to vector<16xf32>
    tpu.vector_store %arg13[%swap3A_66], %swap3A_69 {strides = array<i32>} : memref<128xf32, #tpu.memory_space<vmem>>, vector<16xf32>,
    %broadcast_in_dim3A_70 = arith.constant 1.000000e+00 : f32
    %broadcast_in_dim3A_71 = vector.broadcast %broadcast_in_dim3A_70 : f32 to vector<16xf32>
    %swap3A_72 = arith.constant 96 : index
    %swap3A_73 = tpu.vector_load %arg13[%swap3A_72] {strides = array<i32>} : memref<128xf32, #tpu.memory_space<vmem>>, vector<16xf32>,
    %swap3A_74 = vector.shape_cast %swap3A_73 : vector<16xf32> to vector<16xf32>
    %swap3A_75 = vector.shape_cast %broadcast_in_dim3A_71 : vector<16xf32> to vector<16xf32>
    tpu.vector_store %arg13[%swap3A_72], %swap3A_75 {strides = array<i32>} : memref<128xf32, #tpu.memory_space<vmem>>, vector<16xf32>,
    %broadcast_in_dim3A_76 = arith.constant 1.000000e+00 : f32
    %broadcast_in_dim3A_77 = vector.broadcast %broadcast_in_dim3A_76 : f32 to vector<16xf32>
    %swap3A_78 = arith.constant 112 : index
    %swap3A_79 = tpu.vector_load %arg13[%swap3A_78] {strides = array<i32>} : memref<128xf32, #tpu.memory_space<vmem>>, vector<16xf32>,
    %swap3A_80 = vector.shape_cast %swap3A_79 : vector<16xf32> to vector<16xf32>
    %swap3A_81 = vector.shape_cast %broadcast_in_dim3A_77 : vector<16xf32> to vector<16xf32>
    tpu.vector_store %arg13[%swap3A_78], %swap3A_81 {strides = array<i32>} : memref<128xf32, #tpu.memory_space<vmem>>, vector<16xf32>,
    %barrier3A = arith.constant 0 : index
    tpu.barrier barrier_id(%barrier3A)
    %scan3A = arith.constant 0 : i32
    %scan3A_82 = arith.constant 19 : i32
    %scan3A_83 = arith.addi %scan3A, %scan3A_82 : i32
    %scan3A_84 = arith.constant 1 : i32
    scf.for %scan3A_208 = %scan3A to %scan3A_83 step %scan3A_84  : i32 {
      %mul3A_209 = arith.constant 1 : i32
      %mul3A_210 = arith.muli %scan3A_208, %mul3A_209 : i32
      %add3A_211 = arith.constant 0 : i32
      %add3A_212 = arith.addi %add3A_211, %mul3A_210 : i32
      %mul3A_213 = arith.constant 2 : i32
      %mul3A_214 = arith.muli %mul3A_213, %add3A_212 : i32
      %add3A_215 = arith.constant 0 : i32
      %add3A_216 = arith.addi %mul3A_214, %add3A_215 : i32
      %dma_wait3A_217 = arith.constant 0 : i32
      %dma_wait3A_218 = arith.constant 0 : i32
      %dma_wait3A_219 = arith.constant 0 : i32
      %dma_wait3A_220 = tpu.memref_slice %arg12[%dma_wait3A_217, %dma_wait3A_218, %dma_wait3A_219] : memref<2x128x128xf32, #tpu.memory_space<vmem>> -> memref<1x128x128xf32, #tpu.memory_space<vmem>>
      %dma_wait3A_221 = tpu.memref_squeeze %dma_wait3A_220 : memref<1x128x128xf32, #tpu.memory_space<vmem>> -> memref<128x128xf32, #tpu.memory_space<vmem>>
      %dma_wait3A_222 = arith.constant 0 : i32
      %dma_wait3A_223 = tpu.memref_slice %arg11[%add3A_216, %dma_wait3A_222] : memref<80x128xi32, #tpu.memory_space<vmem>> -> memref<1x128xi32, #tpu.memory_space<vmem>>
      %dma_wait3A_224 = tpu.memref_squeeze %dma_wait3A_223 : memref<1x128xi32, #tpu.memory_space<vmem>> -> memref<128xi32, #tpu.memory_space<vmem>>
      %dma_wait3A_225 = arith.constant 0 : i32
      %dma_wait3A_226 = arith.constant 0 : i32
      %dma_wait3A_227 = tpu.memref_slice %arg2[%dma_wait3A_225, %dma_wait3A_226] : memref<20000x128xf32, #tpu.memory_space<hbm>> -> memref<20000x128xf32, #tpu.memory_space<hbm>>
      tpu.wait_indirect_dma semaphore(%arg17 : memref<!tpu.dma_semaphore, #tpu.memory_space<semaphore_mem>>) src(%dma_wait3A_227 : memref<20000x128xf32, #tpu.memory_space<hbm>>) dst(%dma_wait3A_221 : memref<128x128xf32, #tpu.memory_space<vmem>>)
      %add3A_228 = arith.constant 40 : i32
      %add3A_229 = arith.addi %add3A_228, %add3A_216 : i32
      %run_scoped3A_230 = arith.constant 0 : i32
      "tpu.region"() ({
        %run_scoped3A_293 = tpu.sem_alloc : memref<!tpu.dma_semaphore, #tpu.memory_space<semaphore_mem>>
        %dma_start3A_294 = arith.constant 0 : i32
        %dma_start3A_295 = arith.constant 0 : i32
        %dma_start3A_296 = tpu.memref_slice %arg12[%run_scoped3A_230, %dma_start3A_294, %dma_start3A_295] : memref<2x128x128xf32, #tpu.memory_space<vmem>> -> memref<1x128x128xf32, #tpu.memory_space<vmem>>
        %dma_start3A_297 = tpu.memref_squeeze %dma_start3A_296 : memref<1x128x128xf32, #tpu.memory_space<vmem>> -> memref<128x128xf32, #tpu.memory_space<vmem>>
        %dma_start3A_298 = arith.constant 0 : i32
        %dma_start3A_299 = tpu.memref_slice %arg11[%add3A_229, %dma_start3A_298] : memref<80x128xi32, #tpu.memory_space<vmem>> -> memref<1x128xi32, #tpu.memory_space<vmem>>
        %dma_start3A_300 = tpu.memref_squeeze %dma_start3A_299 : memref<1x128xi32, #tpu.memory_space<vmem>> -> memref<128xi32, #tpu.memory_space<vmem>>
        %dma_start3A_301 = arith.constant 0 : i32
        %dma_start3A_302 = arith.constant 0 : i32
        %dma_start3A_303 = tpu.memref_slice %arg15[%dma_start3A_301, %dma_start3A_302] : memref<10112x128xf32, #tpu.memory_space<vmem_shared>> -> memref<10112x128xf32, #tpu.memory_space<vmem_shared>>
        tpu.enqueue_indirect_dma source(%dma_start3A_297 : memref<128x128xf32, #tpu.memory_space<vmem>>) target(%dma_start3A_303 : memref<10112x128xf32, #tpu.memory_space<vmem_shared>>) offsets(%dma_start3A_300 : memref<128xi32, #tpu.memory_space<vmem>>) semaphore(%run_scoped3A_293 : memref<!tpu.dma_semaphore, #tpu.memory_space<semaphore_mem>>) {add = true}
        %dma_wait3A_304 = arith.constant 0 : i32
        %dma_wait3A_305 = arith.constant 0 : i32
        %dma_wait3A_306 = tpu.memref_slice %arg12[%run_scoped3A_230, %dma_wait3A_304, %dma_wait3A_305] : memref<2x128x128xf32, #tpu.memory_space<vmem>> -> memref<1x128x128xf32, #tpu.memory_space<vmem>>
        %dma_wait3A_307 = tpu.memref_squeeze %dma_wait3A_306 : memref<1x128x128xf32, #tpu.memory_space<vmem>> -> memref<128x128xf32, #tpu.memory_space<vmem>>
        %dma_wait3A_308 = arith.constant 0 : i32
        %dma_wait3A_309 = tpu.memref_slice %arg11[%add3A_229, %dma_wait3A_308] : memref<80x128xi32, #tpu.memory_space<vmem>> -> memref<1x128xi32, #tpu.memory_space<vmem>>
        %dma_wait3A_310 = tpu.memref_squeeze %dma_wait3A_309 : memref<1x128xi32, #tpu.memory_space<vmem>> -> memref<128xi32, #tpu.memory_space<vmem>>
        %dma_wait3A_311 = arith.constant 0 : i32
        %dma_wait3A_312 = arith.constant 0 : i32
        %dma_wait3A_313 = tpu.memref_slice %arg15[%dma_wait3A_311, %dma_wait3A_312] : memref<10112x128xf32, #tpu.memory_space<vmem_shared>> -> memref<10112x128xf32, #tpu.memory_space<vmem_shared>>
        tpu.wait_indirect_dma semaphore(%run_scoped3A_293 : memref<!tpu.dma_semaphore, #tpu.memory_space<semaphore_mem>>) src(%dma_wait3A_307 : memref<128x128xf32, #tpu.memory_space<vmem>>) dst(%dma_wait3A_313 : memref<10112x128xf32, #tpu.memory_space<vmem_shared>>)
        tpu.yield
      }) : () -> ()
      %mul3A_231 = arith.constant 2 : i32
      %mul3A_232 = arith.muli %mul3A_231, %add3A_212 : i32
      %add3A_233 = arith.constant 0 : i32
      %add3A_234 = arith.addi %mul3A_232, %add3A_233 : i32
      %add3A_235 = arith.constant 2 : i32
      %add3A_236 = arith.addi %add3A_234, %add3A_235 : i32
      %dma_start3A_237 = arith.constant 0 : i32
      %dma_start3A_238 = arith.constant 0 : i32
      %dma_start3A_239 = arith.constant 0 : i32
      %dma_start3A_240 = tpu.memref_slice %arg12[%dma_start3A_237, %dma_start3A_238, %dma_start3A_239] : memref<2x128x128xf32, #tpu.memory_space<vmem>> -> memref<1x128x128xf32, #tpu.memory_space<vmem>>
      %dma_start3A_241 = tpu.memref_squeeze %dma_start3A_240 : memref<1x128x128xf32, #tpu.memory_space<vmem>> -> memref<128x128xf32, #tpu.memory_space<vmem>>
      %dma_start3A_242 = arith.constant 0 : i32
      %dma_start3A_243 = tpu.memref_slice %arg11[%add3A_236, %dma_start3A_242] : memref<80x128xi32, #tpu.memory_space<vmem>> -> memref<1x128xi32, #tpu.memory_space<vmem>>
      %dma_start3A_244 = tpu.memref_squeeze %dma_start3A_243 : memref<1x128xi32, #tpu.memory_space<vmem>> -> memref<128xi32, #tpu.memory_space<vmem>>
      %dma_start3A_245 = arith.constant 0 : i32
      %dma_start3A_246 = arith.constant 0 : i32
      %dma_start3A_247 = tpu.memref_slice %arg2[%dma_start3A_245, %dma_start3A_246] : memref<20000x128xf32, #tpu.memory_space<hbm>> -> memref<20000x128xf32, #tpu.memory_space<hbm>>
      tpu.enqueue_indirect_dma source(%dma_start3A_247 : memref<20000x128xf32, #tpu.memory_space<hbm>>) target(%dma_start3A_241 : memref<128x128xf32, #tpu.memory_space<vmem>>) offsets(%dma_start3A_244 : memref<128xi32, #tpu.memory_space<vmem>>) semaphore(%arg17 : memref<!tpu.dma_semaphore, #tpu.memory_space<semaphore_mem>>)
      %eq3A_248 = arith.constant 0 : i32
      %eq3A_249 = arith.cmpi eq, %arg0, %eq3A_248 : i32
      %convert_element_type3A_250 = arith.extui %eq3A_249 : i1 to i32
      %cond3A_251 = arith.constant 0 : i32
      %cond3A_252 = arith.cmpi ne, %convert_element_type3A_250, %cond3A_251 : i32
      scf.if %cond3A_252 {
        %add3A_293 = arith.constant 40 : i32
        %add3A_294 = arith.addi %add3A_293, %add3A_216 : i32
        "tpu.region"() ({
          %run_scoped3A_295 = tpu.sem_alloc : memref<!tpu.dma_semaphore, #tpu.memory_space<semaphore_mem>>
          %dma_start3A_296 = arith.constant 0 : i32
          %dma_start3A_297 = tpu.memref_slice %arg11[%add3A_294, %dma_start3A_296] : memref<80x128xi32, #tpu.memory_space<vmem>> -> memref<1x128xi32, #tpu.memory_space<vmem>>
          %dma_start3A_298 = tpu.memref_squeeze %dma_start3A_297 : memref<1x128xi32, #tpu.memory_space<vmem>> -> memref<128xi32, #tpu.memory_space<vmem>>
          %dma_start3A_299 = arith.constant 0 : i32
          %dma_start3A_300 = tpu.memref_slice %arg16[%dma_start3A_299] : memref<10112xf32, #tpu.memory_space<vmem_shared>> -> memref<10112xf32, #tpu.memory_space<vmem_shared>>
          tpu.enqueue_indirect_dma source(%arg13 : memref<128xf32, #tpu.memory_space<vmem>>) target(%dma_start3A_300 : memref<10112xf32, #tpu.memory_space<vmem_shared>>) offsets(%dma_start3A_298 : memref<128xi32, #tpu.memory_space<vmem>>) semaphore(%run_scoped3A_295 : memref<!tpu.dma_semaphore, #tpu.memory_space<semaphore_mem>>) {add = true}
          %dma_wait3A_301 = arith.constant 0 : i32
          %dma_wait3A_302 = tpu.memref_slice %arg11[%add3A_294, %dma_wait3A_301] : memref<80x128xi32, #tpu.memory_space<vmem>> -> memref<1x128xi32, #tpu.memory_space<vmem>>
          %dma_wait3A_303 = tpu.memref_squeeze %dma_wait3A_302 : memref<1x128xi32, #tpu.memory_space<vmem>> -> memref<128xi32, #tpu.memory_space<vmem>>
          %dma_wait3A_304 = arith.constant 0 : i32
          %dma_wait3A_305 = tpu.memref_slice %arg16[%dma_wait3A_304] : memref<10112xf32, #tpu.memory_space<vmem_shared>> -> memref<10112xf32, #tpu.memory_space<vmem_shared>>
          tpu.wait_indirect_dma semaphore(%run_scoped3A_295 : memref<!tpu.dma_semaphore, #tpu.memory_space<semaphore_mem>>) src(%arg13 : memref<128xf32, #tpu.memory_space<vmem>>) dst(%dma_wait3A_305 : memref<10112xf32, #tpu.memory_space<vmem_shared>>)
          tpu.yield
        }) : () -> ()
      } else {
      }
      %mul3A_253 = arith.constant 2 : i32
      %mul3A_254 = arith.muli %mul3A_253, %add3A_212 : i32
      %add3A_255 = arith.constant 1 : i32
      %add3A_256 = arith.addi %mul3A_254, %add3A_255 : i32
      %dma_wait3A_257 = arith.constant 1 : i32
      %dma_wait3A_258 = arith.constant 0 : i32
      %dma_wait3A_259 = arith.constant 0 : i32
      %dma_wait3A_260 = tpu.memref_slice %arg12[%dma_wait3A_257, %dma_wait3A_258, %dma_wait3A_259] : memref<2x128x128xf32, #tpu.memory_space<vmem>> -> memref<1x128x128xf32, #tpu.memory_space<vmem>>
      %dma_wait3A_261 = tpu.memref_squeeze %dma_wait3A_260 : memref<1x128x128xf32, #tpu.memory_space<vmem>> -> memref<128x128xf32, #tpu.memory_space<vmem>>
      %dma_wait3A_262 = arith.constant 0 : i32
      %dma_wait3A_263 = tpu.memref_slice %arg11[%add3A_256, %dma_wait3A_262] : memref<80x128xi32, #tpu.memory_space<vmem>> -> memref<1x128xi32, #tpu.memory_space<vmem>>
      %dma_wait3A_264 = tpu.memref_squeeze %dma_wait3A_263 : memref<1x128xi32, #tpu.memory_space<vmem>> -> memref<128xi32, #tpu.memory_space<vmem>>
      %dma_wait3A_265 = arith.constant 0 : i32
      %dma_wait3A_266 = arith.constant 0 : i32
      %dma_wait3A_267 = tpu.memref_slice %arg2[%dma_wait3A_265, %dma_wait3A_266] : memref<20000x128xf32, #tpu.memory_space<hbm>> -> memref<20000x128xf32, #tpu.memory_space<hbm>>
      tpu.wait_indirect_dma semaphore(%arg18 : memref<!tpu.dma_semaphore, #tpu.memory_space<semaphore_mem>>) src(%dma_wait3A_267 : memref<20000x128xf32, #tpu.memory_space<hbm>>) dst(%dma_wait3A_261 : memref<128x128xf32, #tpu.memory_space<vmem>>)
      %add3A_268 = arith.constant 40 : i32
      %add3A_269 = arith.addi %add3A_268, %add3A_256 : i32
      %run_scoped3A_270 = arith.constant 1 : i32
      "tpu.region"() ({
        %run_scoped3A_293 = tpu.sem_alloc : memref<!tpu.dma_semaphore, #tpu.memory_space<semaphore_mem>>
        %dma_start3A_294 = arith.constant 0 : i32
        %dma_start3A_295 = arith.constant 0 : i32
        %dma_start3A_296 = tpu.memref_slice %arg12[%run_scoped3A_270, %dma_start3A_294, %dma_start3A_295] : memref<2x128x128xf32, #tpu.memory_space<vmem>> -> memref<1x128x128xf32, #tpu.memory_space<vmem>>
        %dma_start3A_297 = tpu.memref_squeeze %dma_start3A_296 : memref<1x128x128xf32, #tpu.memory_space<vmem>> -> memref<128x128xf32, #tpu.memory_space<vmem>>
        %dma_start3A_298 = arith.constant 0 : i32
        %dma_start3A_299 = tpu.memref_slice %arg11[%add3A_269, %dma_start3A_298] : memref<80x128xi32, #tpu.memory_space<vmem>> -> memref<1x128xi32, #tpu.memory_space<vmem>>
        %dma_start3A_300 = tpu.memref_squeeze %dma_start3A_299 : memref<1x128xi32, #tpu.memory_space<vmem>> -> memref<128xi32, #tpu.memory_space<vmem>>
        %dma_start3A_301 = arith.constant 0 : i32
        %dma_start3A_302 = arith.constant 0 : i32
        %dma_start3A_303 = tpu.memref_slice %arg15[%dma_start3A_301, %dma_start3A_302] : memref<10112x128xf32, #tpu.memory_space<vmem_shared>> -> memref<10112x128xf32, #tpu.memory_space<vmem_shared>>
        tpu.enqueue_indirect_dma source(%dma_start3A_297 : memref<128x128xf32, #tpu.memory_space<vmem>>) target(%dma_start3A_303 : memref<10112x128xf32, #tpu.memory_space<vmem_shared>>) offsets(%dma_start3A_300 : memref<128xi32, #tpu.memory_space<vmem>>) semaphore(%run_scoped3A_293 : memref<!tpu.dma_semaphore, #tpu.memory_space<semaphore_mem>>) {add = true}
        %dma_wait3A_304 = arith.constant 0 : i32
        %dma_wait3A_305 = arith.constant 0 : i32
        %dma_wait3A_306 = tpu.memref_slice %arg12[%run_scoped3A_270, %dma_wait3A_304, %dma_wait3A_305] : memref<2x128x128xf32, #tpu.memory_space<vmem>> -> memref<1x128x128xf32, #tpu.memory_space<vmem>>
        %dma_wait3A_307 = tpu.memref_squeeze %dma_wait3A_306 : memref<1x128x128xf32, #tpu.memory_space<vmem>> -> memref<128x128xf32, #tpu.memory_space<vmem>>
        %dma_wait3A_308 = arith.constant 0 : i32
        %dma_wait3A_309 = tpu.memref_slice %arg11[%add3A_269, %dma_wait3A_308] : memref<80x128xi32, #tpu.memory_space<vmem>> -> memref<1x128xi32, #tpu.memory_space<vmem>>
        %dma_wait3A_310 = tpu.memref_squeeze %dma_wait3A_309 : memref<1x128xi32, #tpu.memory_space<vmem>> -> memref<128xi32, #tpu.memory_space<vmem>>
        %dma_wait3A_311 = arith.constant 0 : i32
        %dma_wait3A_312 = arith.constant 0 : i32
        %dma_wait3A_313 = tpu.memref_slice %arg15[%dma_wait3A_311, %dma_wait3A_312] : memref<10112x128xf32, #tpu.memory_space<vmem_shared>> -> memref<10112x128xf32, #tpu.memory_space<vmem_shared>>
        tpu.wait_indirect_dma semaphore(%run_scoped3A_293 : memref<!tpu.dma_semaphore, #tpu.memory_space<semaphore_mem>>) src(%dma_wait3A_307 : memref<128x128xf32, #tpu.memory_space<vmem>>) dst(%dma_wait3A_313 : memref<10112x128xf32, #tpu.memory_space<vmem_shared>>)
        tpu.yield
      }) : () -> ()
      %mul3A_271 = arith.constant 2 : i32
      %mul3A_272 = arith.muli %mul3A_271, %add3A_212 : i32
      %add3A_273 = arith.constant 1 : i32
      %add3A_274 = arith.addi %mul3A_272, %add3A_273 : i32
      %add3A_275 = arith.constant 2 : i32
      %add3A_276 = arith.addi %add3A_274, %add3A_275 : i32
      %dma_start3A_277 = arith.constant 1 : i32
      %dma_start3A_278 = arith.constant 0 : i32
      %dma_start3A_279 = arith.constant 0 : i32
      %dma_start3A_280 = tpu.memref_slice %arg12[%dma_start3A_277, %dma_start3A_278, %dma_start3A_279] : memref<2x128x128xf32, #tpu.memory_space<vmem>> -> memref<1x128x128xf32, #tpu.memory_space<vmem>>
      %dma_start3A_281 = tpu.memref_squeeze %dma_start3A_280 : memref<1x128x128xf32, #tpu.memory_space<vmem>> -> memref<128x128xf32, #tpu.memory_space<vmem>>
      %dma_start3A_282 = arith.constant 0 : i32
      %dma_start3A_283 = tpu.memref_slice %arg11[%add3A_276, %dma_start3A_282] : memref<80x128xi32, #tpu.memory_space<vmem>> -> memref<1x128xi32, #tpu.memory_space<vmem>>
      %dma_start3A_284 = tpu.memref_squeeze %dma_start3A_283 : memref<1x128xi32, #tpu.memory_space<vmem>> -> memref<128xi32, #tpu.memory_space<vmem>>
      %dma_start3A_285 = arith.constant 0 : i32
      %dma_start3A_286 = arith.constant 0 : i32
      %dma_start3A_287 = tpu.memref_slice %arg2[%dma_start3A_285, %dma_start3A_286] : memref<20000x128xf32, #tpu.memory_space<hbm>> -> memref<20000x128xf32, #tpu.memory_space<hbm>>
      tpu.enqueue_indirect_dma source(%dma_start3A_287 : memref<20000x128xf32, #tpu.memory_space<hbm>>) target(%dma_start3A_281 : memref<128x128xf32, #tpu.memory_space<vmem>>) offsets(%dma_start3A_284 : memref<128xi32, #tpu.memory_space<vmem>>) semaphore(%arg18 : memref<!tpu.dma_semaphore, #tpu.memory_space<semaphore_mem>>)
      %eq3A_288 = arith.constant 1 : i32
      %eq3A_289 = arith.cmpi eq, %arg0, %eq3A_288 : i32
      %convert_element_type3A_290 = arith.extui %eq3A_289 : i1 to i32
      %cond3A_291 = arith.constant 0 : i32
      %cond3A_292 = arith.cmpi ne, %convert_element_type3A_290, %cond3A_291 : i32
      scf.if %cond3A_292 {
        %add3A_293 = arith.constant 40 : i32
        %add3A_294 = arith.addi %add3A_293, %add3A_256 : i32
        "tpu.region"() ({
          %run_scoped3A_295 = tpu.sem_alloc : memref<!tpu.dma_semaphore, #tpu.memory_space<semaphore_mem>>
          %dma_start3A_296 = arith.constant 0 : i32
          %dma_start3A_297 = tpu.memref_slice %arg11[%add3A_294, %dma_start3A_296] : memref<80x128xi32, #tpu.memory_space<vmem>> -> memref<1x128xi32, #tpu.memory_space<vmem>>
          %dma_start3A_298 = tpu.memref_squeeze %dma_start3A_297 : memref<1x128xi32, #tpu.memory_space<vmem>> -> memref<128xi32, #tpu.memory_space<vmem>>
          %dma_start3A_299 = arith.constant 0 : i32
          %dma_start3A_300 = tpu.memref_slice %arg16[%dma_start3A_299] : memref<10112xf32, #tpu.memory_space<vmem_shared>> -> memref<10112xf32, #tpu.memory_space<vmem_shared>>
          tpu.enqueue_indirect_dma source(%arg13 : memref<128xf32, #tpu.memory_space<vmem>>) target(%dma_start3A_300 : memref<10112xf32, #tpu.memory_space<vmem_shared>>) offsets(%dma_start3A_298 : memref<128xi32, #tpu.memory_space<vmem>>) semaphore(%run_scoped3A_295 : memref<!tpu.dma_semaphore, #tpu.memory_space<semaphore_mem>>) {add = true}
          %dma_wait3A_301 = arith.constant 0 : i32
          %dma_wait3A_302 = tpu.memref_slice %arg11[%add3A_294, %dma_wait3A_301] : memref<80x128xi32, #tpu.memory_space<vmem>> -> memref<1x128xi32, #tpu.memory_space<vmem>>
          %dma_wait3A_303 = tpu.memref_squeeze %dma_wait3A_302 : memref<1x128xi32, #tpu.memory_space<vmem>> -> memref<128xi32, #tpu.memory_space<vmem>>
          %dma_wait3A_304 = arith.constant 0 : i32
          %dma_wait3A_305 = tpu.memref_slice %arg16[%dma_wait3A_304] : memref<10112xf32, #tpu.memory_space<vmem_shared>> -> memref<10112xf32, #tpu.memory_space<vmem_shared>>
          tpu.wait_indirect_dma semaphore(%run_scoped3A_295 : memref<!tpu.dma_semaphore, #tpu.memory_space<semaphore_mem>>) src(%arg13 : memref<128xf32, #tpu.memory_space<vmem>>) dst(%dma_wait3A_305 : memref<10112xf32, #tpu.memory_space<vmem_shared>>)
          tpu.yield
        }) : () -> ()
      } else {
      }
    }
    %scan3A_85 = arith.constant 19 : i32
    %dma_wait3A = arith.constant 38 : i32
    %dma_wait3A_86 = arith.constant 0 : i32
    %dma_wait3A_87 = arith.constant 0 : i32
    %dma_wait3A_88 = arith.constant 0 : i32
    %dma_wait3A_89 = tpu.memref_slice %arg12[%dma_wait3A_86, %dma_wait3A_87, %dma_wait3A_88] : memref<2x128x128xf32, #tpu.memory_space<vmem>> -> memref<1x128x128xf32, #tpu.memory_space<vmem>>
    %dma_wait3A_90 = tpu.memref_squeeze %dma_wait3A_89 : memref<1x128x128xf32, #tpu.memory_space<vmem>> -> memref<128x128xf32, #tpu.memory_space<vmem>>
    %dma_wait3A_91 = arith.constant 0 : i32
    %dma_wait3A_92 = tpu.memref_slice %arg11[%dma_wait3A, %dma_wait3A_91] : memref<80x128xi32, #tpu.memory_space<vmem>> -> memref<1x128xi32, #tpu.memory_space<vmem>>
    %dma_wait3A_93 = tpu.memref_squeeze %dma_wait3A_92 : memref<1x128xi32, #tpu.memory_space<vmem>> -> memref<128xi32, #tpu.memory_space<vmem>>
    %dma_wait3A_94 = arith.constant 0 : i32
    %dma_wait3A_95 = arith.constant 0 : i32
    %dma_wait3A_96 = tpu.memref_slice %arg2[%dma_wait3A_94, %dma_wait3A_95] : memref<20000x128xf32, #tpu.memory_space<hbm>> -> memref<20000x128xf32, #tpu.memory_space<hbm>>
    tpu.wait_indirect_dma semaphore(%arg17 : memref<!tpu.dma_semaphore, #tpu.memory_space<semaphore_mem>>) src(%dma_wait3A_96 : memref<20000x128xf32, #tpu.memory_space<hbm>>) dst(%dma_wait3A_90 : memref<128x128xf32, #tpu.memory_space<vmem>>)
    %run_scoped3A = arith.constant 0 : i32
    %run_scoped3A_97 = arith.constant 78 : i32
    "tpu.region"() ({
      %run_scoped3A_208 = tpu.sem_alloc : memref<!tpu.dma_semaphore, #tpu.memory_space<semaphore_mem>>
      %dma_start3A_209 = arith.constant 0 : i32
      %dma_start3A_210 = arith.constant 0 : i32
      %dma_start3A_211 = tpu.memref_slice %arg12[%run_scoped3A, %dma_start3A_209, %dma_start3A_210] : memref<2x128x128xf32, #tpu.memory_space<vmem>> -> memref<1x128x128xf32, #tpu.memory_space<vmem>>
      %dma_start3A_212 = tpu.memref_squeeze %dma_start3A_211 : memref<1x128x128xf32, #tpu.memory_space<vmem>> -> memref<128x128xf32, #tpu.memory_space<vmem>>
      %dma_start3A_213 = arith.constant 0 : i32
      %dma_start3A_214 = tpu.memref_slice %arg11[%run_scoped3A_97, %dma_start3A_213] : memref<80x128xi32, #tpu.memory_space<vmem>> -> memref<1x128xi32, #tpu.memory_space<vmem>>
      %dma_start3A_215 = tpu.memref_squeeze %dma_start3A_214 : memref<1x128xi32, #tpu.memory_space<vmem>> -> memref<128xi32, #tpu.memory_space<vmem>>
      %dma_start3A_216 = arith.constant 0 : i32
      %dma_start3A_217 = arith.constant 0 : i32
      %dma_start3A_218 = tpu.memref_slice %arg15[%dma_start3A_216, %dma_start3A_217] : memref<10112x128xf32, #tpu.memory_space<vmem_shared>> -> memref<10112x128xf32, #tpu.memory_space<vmem_shared>>
      tpu.enqueue_indirect_dma source(%dma_start3A_212 : memref<128x128xf32, #tpu.memory_space<vmem>>) target(%dma_start3A_218 : memref<10112x128xf32, #tpu.memory_space<vmem_shared>>) offsets(%dma_start3A_215 : memref<128xi32, #tpu.memory_space<vmem>>) semaphore(%run_scoped3A_208 : memref<!tpu.dma_semaphore, #tpu.memory_space<semaphore_mem>>) {add = true}
      %dma_wait3A_219 = arith.constant 0 : i32
      %dma_wait3A_220 = arith.constant 0 : i32
      %dma_wait3A_221 = tpu.memref_slice %arg12[%run_scoped3A, %dma_wait3A_219, %dma_wait3A_220] : memref<2x128x128xf32, #tpu.memory_space<vmem>> -> memref<1x128x128xf32, #tpu.memory_space<vmem>>
      %dma_wait3A_222 = tpu.memref_squeeze %dma_wait3A_221 : memref<1x128x128xf32, #tpu.memory_space<vmem>> -> memref<128x128xf32, #tpu.memory_space<vmem>>
      %dma_wait3A_223 = arith.constant 0 : i32
      %dma_wait3A_224 = tpu.memref_slice %arg11[%run_scoped3A_97, %dma_wait3A_223] : memref<80x128xi32, #tpu.memory_space<vmem>> -> memref<1x128xi32, #tpu.memory_space<vmem>>
      %dma_wait3A_225 = tpu.memref_squeeze %dma_wait3A_224 : memref<1x128xi32, #tpu.memory_space<vmem>> -> memref<128xi32, #tpu.memory_space<vmem>>
      %dma_wait3A_226 = arith.constant 0 : i32
      %dma_wait3A_227 = arith.constant 0 : i32
      %dma_wait3A_228 = tpu.memref_slice %arg15[%dma_wait3A_226, %dma_wait3A_227] : memref<10112x128xf32, #tpu.memory_space<vmem_shared>> -> memref<10112x128xf32, #tpu.memory_space<vmem_shared>>
      tpu.wait_indirect_dma semaphore(%run_scoped3A_208 : memref<!tpu.dma_semaphore, #tpu.memory_space<semaphore_mem>>) src(%dma_wait3A_222 : memref<128x128xf32, #tpu.memory_space<vmem>>) dst(%dma_wait3A_228 : memref<10112x128xf32, #tpu.memory_space<vmem_shared>>)
      tpu.yield
    }) : () -> ()
    %eq3A = arith.constant 0 : i32
    %eq3A_98 = arith.cmpi eq, %arg0, %eq3A : i32
    %convert_element_type3A = arith.extui %eq3A_98 : i1 to i32
    %cond3A = arith.constant 0 : i32
    %cond3A_99 = arith.cmpi ne, %convert_element_type3A, %cond3A : i32
    scf.if %cond3A_99 {
      %run_scoped3A_208 = arith.constant 78 : i32
      "tpu.region"() ({
        %run_scoped3A_209 = tpu.sem_alloc : memref<!tpu.dma_semaphore, #tpu.memory_space<semaphore_mem>>
        %dma_start3A_210 = arith.constant 0 : i32
        %dma_start3A_211 = tpu.memref_slice %arg11[%run_scoped3A_208, %dma_start3A_210] : memref<80x128xi32, #tpu.memory_space<vmem>> -> memref<1x128xi32, #tpu.memory_space<vmem>>
        %dma_start3A_212 = tpu.memref_squeeze %dma_start3A_211 : memref<1x128xi32, #tpu.memory_space<vmem>> -> memref<128xi32, #tpu.memory_space<vmem>>
        %dma_start3A_213 = arith.constant 0 : i32
        %dma_start3A_214 = tpu.memref_slice %arg16[%dma_start3A_213] : memref<10112xf32, #tpu.memory_space<vmem_shared>> -> memref<10112xf32, #tpu.memory_space<vmem_shared>>
        tpu.enqueue_indirect_dma source(%arg13 : memref<128xf32, #tpu.memory_space<vmem>>) target(%dma_start3A_214 : memref<10112xf32, #tpu.memory_space<vmem_shared>>) offsets(%dma_start3A_212 : memref<128xi32, #tpu.memory_space<vmem>>) semaphore(%run_scoped3A_209 : memref<!tpu.dma_semaphore, #tpu.memory_space<semaphore_mem>>) {add = true}
        %dma_wait3A_215 = arith.constant 0 : i32
        %dma_wait3A_216 = tpu.memref_slice %arg11[%run_scoped3A_208, %dma_wait3A_215] : memref<80x128xi32, #tpu.memory_space<vmem>> -> memref<1x128xi32, #tpu.memory_space<vmem>>
        %dma_wait3A_217 = tpu.memref_squeeze %dma_wait3A_216 : memref<1x128xi32, #tpu.memory_space<vmem>> -> memref<128xi32, #tpu.memory_space<vmem>>
        %dma_wait3A_218 = arith.constant 0 : i32
        %dma_wait3A_219 = tpu.memref_slice %arg16[%dma_wait3A_218] : memref<10112xf32, #tpu.memory_space<vmem_shared>> -> memref<10112xf32, #tpu.memory_space<vmem_shared>>
        tpu.wait_indirect_dma semaphore(%run_scoped3A_209 : memref<!tpu.dma_semaphore, #tpu.memory_space<semaphore_mem>>) src(%arg13 : memref<128xf32, #tpu.memory_space<vmem>>) dst(%dma_wait3A_219 : memref<10112xf32, #tpu.memory_space<vmem_shared>>)
        tpu.yield
      }) : () -> ()
    } else {
    }
    %dma_wait3A_100 = arith.constant 39 : i32
    %dma_wait3A_101 = arith.constant 1 : i32
    %dma_wait3A_102 = arith.constant 0 : i32
    %dma_wait3A_103 = arith.constant 0 : i32
    %dma_wait3A_104 = tpu.memref_slice %arg12[%dma_wait3A_101, %dma_wait3A_102, %dma_wait3A_103] : memref<2x128x128xf32, #tpu.memory_space<vmem>> -> memref<1x128x128xf32, #tpu.memory_space<vmem>>
    %dma_wait3A_105 = tpu.memref_squeeze %dma_wait3A_104 : memref<1x128x128xf32, #tpu.memory_space<vmem>> -> memref<128x128xf32, #tpu.memory_space<vmem>>
    %dma_wait3A_106 = arith.constant 0 : i32
    %dma_wait3A_107 = tpu.memref_slice %arg11[%dma_wait3A_100, %dma_wait3A_106] : memref<80x128xi32, #tpu.memory_space<vmem>> -> memref<1x128xi32, #tpu.memory_space<vmem>>
    %dma_wait3A_108 = tpu.memref_squeeze %dma_wait3A_107 : memref<1x128xi32, #tpu.memory_space<vmem>> -> memref<128xi32, #tpu.memory_space<vmem>>
    %dma_wait3A_109 = arith.constant 0 : i32
    %dma_wait3A_110 = arith.constant 0 : i32
    %dma_wait3A_111 = tpu.memref_slice %arg2[%dma_wait3A_109, %dma_wait3A_110] : memref<20000x128xf32, #tpu.memory_space<hbm>> -> memref<20000x128xf32, #tpu.memory_space<hbm>>
    tpu.wait_indirect_dma semaphore(%arg18 : memref<!tpu.dma_semaphore, #tpu.memory_space<semaphore_mem>>) src(%dma_wait3A_111 : memref<20000x128xf32, #tpu.memory_space<hbm>>) dst(%dma_wait3A_105 : memref<128x128xf32, #tpu.memory_space<vmem>>)
    %run_scoped3A_112 = arith.constant 1 : i32
    %run_scoped3A_113 = arith.constant 79 : i32
    "tpu.region"() ({
      %run_scoped3A_208 = tpu.sem_alloc : memref<!tpu.dma_semaphore, #tpu.memory_space<semaphore_mem>>
      %dma_start3A_209 = arith.constant 0 : i32
      %dma_start3A_210 = arith.constant 0 : i32
      %dma_start3A_211 = tpu.memref_slice %arg12[%run_scoped3A_112, %dma_start3A_209, %dma_start3A_210] : memref<2x128x128xf32, #tpu.memory_space<vmem>> -> memref<1x128x128xf32, #tpu.memory_space<vmem>>
      %dma_start3A_212 = tpu.memref_squeeze %dma_start3A_211 : memref<1x128x128xf32, #tpu.memory_space<vmem>> -> memref<128x128xf32, #tpu.memory_space<vmem>>
      %dma_start3A_213 = arith.constant 0 : i32
      %dma_start3A_214 = tpu.memref_slice %arg11[%run_scoped3A_113, %dma_start3A_213] : memref<80x128xi32, #tpu.memory_space<vmem>> -> memref<1x128xi32, #tpu.memory_space<vmem>>
      %dma_start3A_215 = tpu.memref_squeeze %dma_start3A_214 : memref<1x128xi32, #tpu.memory_space<vmem>> -> memref<128xi32, #tpu.memory_space<vmem>>
      %dma_start3A_216 = arith.constant 0 : i32
      %dma_start3A_217 = arith.constant 0 : i32
      %dma_start3A_218 = tpu.memref_slice %arg15[%dma_start3A_216, %dma_start3A_217] : memref<10112x128xf32, #tpu.memory_space<vmem_shared>> -> memref<10112x128xf32, #tpu.memory_space<vmem_shared>>
      tpu.enqueue_indirect_dma source(%dma_start3A_212 : memref<128x128xf32, #tpu.memory_space<vmem>>) target(%dma_start3A_218 : memref<10112x128xf32, #tpu.memory_space<vmem_shared>>) offsets(%dma_start3A_215 : memref<128xi32, #tpu.memory_space<vmem>>) semaphore(%run_scoped3A_208 : memref<!tpu.dma_semaphore, #tpu.memory_space<semaphore_mem>>) {add = true}
      %dma_wait3A_219 = arith.constant 0 : i32
      %dma_wait3A_220 = arith.constant 0 : i32
      %dma_wait3A_221 = tpu.memref_slice %arg12[%run_scoped3A_112, %dma_wait3A_219, %dma_wait3A_220] : memref<2x128x128xf32, #tpu.memory_space<vmem>> -> memref<1x128x128xf32, #tpu.memory_space<vmem>>
      %dma_wait3A_222 = tpu.memref_squeeze %dma_wait3A_221 : memref<1x128x128xf32, #tpu.memory_space<vmem>> -> memref<128x128xf32, #tpu.memory_space<vmem>>
      %dma_wait3A_223 = arith.constant 0 : i32
      %dma_wait3A_224 = tpu.memref_slice %arg11[%run_scoped3A_113, %dma_wait3A_223] : memref<80x128xi32, #tpu.memory_space<vmem>> -> memref<1x128xi32, #tpu.memory_space<vmem>>
      %dma_wait3A_225 = tpu.memref_squeeze %dma_wait3A_224 : memref<1x128xi32, #tpu.memory_space<vmem>> -> memref<128xi32, #tpu.memory_space<vmem>>
      %dma_wait3A_226 = arith.constant 0 : i32
      %dma_wait3A_227 = arith.constant 0 : i32
      %dma_wait3A_228 = tpu.memref_slice %arg15[%dma_wait3A_226, %dma_wait3A_227] : memref<10112x128xf32, #tpu.memory_space<vmem_shared>> -> memref<10112x128xf32, #tpu.memory_space<vmem_shared>>
      tpu.wait_indirect_dma semaphore(%run_scoped3A_208 : memref<!tpu.dma_semaphore, #tpu.memory_space<semaphore_mem>>) src(%dma_wait3A_222 : memref<128x128xf32, #tpu.memory_space<vmem>>) dst(%dma_wait3A_228 : memref<10112x128xf32, #tpu.memory_space<vmem_shared>>)
      tpu.yield
    }) : () -> ()
    %eq3A_114 = arith.constant 1 : i32
    %eq3A_115 = arith.cmpi eq, %arg0, %eq3A_114 : i32
    %convert_element_type3A_116 = arith.extui %eq3A_115 : i1 to i32
    %cond3A_117 = arith.constant 0 : i32
    %cond3A_118 = arith.cmpi ne, %convert_element_type3A_116, %cond3A_117 : i32
    scf.if %cond3A_118 {
      %run_scoped3A_208 = arith.constant 79 : i32
      "tpu.region"() ({
        %run_scoped3A_209 = tpu.sem_alloc : memref<!tpu.dma_semaphore, #tpu.memory_space<semaphore_mem>>
        %dma_start3A_210 = arith.constant 0 : i32
        %dma_start3A_211 = tpu.memref_slice %arg11[%run_scoped3A_208, %dma_start3A_210] : memref<80x128xi32, #tpu.memory_space<vmem>> -> memref<1x128xi32, #tpu.memory_space<vmem>>
        %dma_start3A_212 = tpu.memref_squeeze %dma_start3A_211 : memref<1x128xi32, #tpu.memory_space<vmem>> -> memref<128xi32, #tpu.memory_space<vmem>>
        %dma_start3A_213 = arith.constant 0 : i32
        %dma_start3A_214 = tpu.memref_slice %arg16[%dma_start3A_213] : memref<10112xf32, #tpu.memory_space<vmem_shared>> -> memref<10112xf32, #tpu.memory_space<vmem_shared>>
        tpu.enqueue_indirect_dma source(%arg13 : memref<128xf32, #tpu.memory_space<vmem>>) target(%dma_start3A_214 : memref<10112xf32, #tpu.memory_space<vmem_shared>>) offsets(%dma_start3A_212 : memref<128xi32, #tpu.memory_space<vmem>>) semaphore(%run_scoped3A_209 : memref<!tpu.dma_semaphore, #tpu.memory_space<semaphore_mem>>) {add = true}
        %dma_wait3A_215 = arith.constant 0 : i32
        %dma_wait3A_216 = tpu.memref_slice %arg11[%run_scoped3A_208, %dma_wait3A_215] : memref<80x128xi32, #tpu.memory_space<vmem>> -> memref<1x128xi32, #tpu.memory_space<vmem>>
        %dma_wait3A_217 = tpu.memref_squeeze %dma_wait3A_216 : memref<1x128xi32, #tpu.memory_space<vmem>> -> memref<128xi32, #tpu.memory_space<vmem>>
        %dma_wait3A_218 = arith.constant 0 : i32
        %dma_wait3A_219 = tpu.memref_slice %arg16[%dma_wait3A_218] : memref<10112xf32, #tpu.memory_space<vmem_shared>> -> memref<10112xf32, #tpu.memory_space<vmem_shared>>
        tpu.wait_indirect_dma semaphore(%run_scoped3A_209 : memref<!tpu.dma_semaphore, #tpu.memory_space<semaphore_mem>>) src(%arg13 : memref<128xf32, #tpu.memory_space<vmem>>) dst(%dma_wait3A_219 : memref<10112xf32, #tpu.memory_space<vmem_shared>>)
        tpu.yield
      }) : () -> ()
    } else {
    }
    %mul3A_119 = arith.constant 16 : i32
    %mul3A_120 = arith.muli %arg0, %mul3A_119 : i32
    %add3A_121 = arith.addi %mul3A_120, %arg1 : i32
    %mul3A_122 = arith.constant 80 : i32
    %mul3A_123 = arith.muli %add3A_121, %mul3A_122 : i32
    %add3A_124 = arith.constant 40 : i32
    %add3A_125 = arith.addi %mul3A_123, %add3A_124 : i32
    "tpu.region"() ({
      %run_scoped3A_208 = tpu.sem_alloc : memref<!tpu.dma_semaphore, #tpu.memory_space<semaphore_mem>>
      %dma_start3A_209 = arith.constant 0 : i32
      %dma_start3A_210 = arith.constant 0 : i32
      %dma_start3A_211 = tpu.memref_slice %arg11[%dma_start3A_209, %dma_start3A_210] : memref<80x128xi32, #tpu.memory_space<vmem>> -> memref<40x128xi32, #tpu.memory_space<vmem>>
      %dma_start3A_212 = arith.constant 0 : i32
      %dma_start3A_213 = tpu.memref_slice %arg3[%add3A_125, %dma_start3A_212] : memref<2560x128xi32, #tpu.memory_space<hbm>> -> memref<40x128xi32, #tpu.memory_space<hbm>>
      %dma_start3A_214 = arith.constant 0 : i32
      %dma_start3A_215 = arith.constant 0 : i32
      %dma_start3A_216 = tpu.memref_slice %arg11[%dma_start3A_214, %dma_start3A_215] : memref<80x128xi32, #tpu.memory_space<vmem>> -> memref<40x128xi32, #tpu.memory_space<vmem>>
      %dma_start3A_217 = arith.constant 0 : i32
      %dma_start3A_218 = tpu.memref_slice %arg3[%add3A_125, %dma_start3A_217] : memref<2560x128xi32, #tpu.memory_space<hbm>> -> memref<40x128xi32, #tpu.memory_space<hbm>>
      tpu.enqueue_dma source(%dma_start3A_218 : memref<40x128xi32, #tpu.memory_space<hbm>>) target(%dma_start3A_216 : memref<40x128xi32, #tpu.memory_space<vmem>>) target_semaphore(%run_scoped3A_208 : memref<!tpu.dma_semaphore, #tpu.memory_space<semaphore_mem>>)
      %dma_wait3A_219 = arith.constant 0 : i32
      %dma_wait3A_220 = arith.constant 0 : i32
      %dma_wait3A_221 = tpu.memref_slice %arg11[%dma_wait3A_219, %dma_wait3A_220] : memref<80x128xi32, #tpu.memory_space<vmem>> -> memref<40x128xi32, #tpu.memory_space<vmem>>
      %dma_wait3A_222 = arith.constant 0 : i32
      %dma_wait3A_223 = tpu.memref_slice %arg3[%add3A_125, %dma_wait3A_222] : memref<2560x128xi32, #tpu.memory_space<hbm>> -> memref<40x128xi32, #tpu.memory_space<hbm>>
      %dma_wait3A_224 = arith.constant 0 : i32
      %dma_wait3A_225 = arith.constant 0 : i32
      %dma_wait3A_226 = tpu.memref_slice %arg11[%dma_wait3A_224, %dma_wait3A_225] : memref<80x128xi32, #tpu.memory_space<vmem>> -> memref<40x128xi32, #tpu.memory_space<vmem>>
      %dma_wait3A_227 = arith.constant 0 : i32
      %dma_wait3A_228 = tpu.memref_slice %arg3[%add3A_125, %dma_wait3A_227] : memref<2560x128xi32, #tpu.memory_space<hbm>> -> memref<40x128xi32, #tpu.memory_space<hbm>>
      tpu.wait_dma2 semaphore(%run_scoped3A_208 : memref<!tpu.dma_semaphore, #tpu.memory_space<semaphore_mem>>) src(%dma_wait3A_228 : memref<40x128xi32, #tpu.memory_space<hbm>>) dst(%dma_wait3A_226 : memref<40x128xi32, #tpu.memory_space<vmem>>)
      tpu.yield
    }) : () -> ()
    %mul3A_126 = arith.constant 80 : i32
    %mul3A_127 = arith.muli %arg1, %mul3A_126 : i32
    %add3A_128 = arith.constant 40 : i32
    %add3A_129 = arith.addi %mul3A_127, %add3A_128 : i32
    "tpu.region"() ({
      %run_scoped3A_208 = tpu.sem_alloc : memref<!tpu.dma_semaphore, #tpu.memory_space<semaphore_mem>>
      %dma_start3A_209 = arith.constant 40 : i32
      %dma_start3A_210 = arith.constant 0 : i32
      %dma_start3A_211 = tpu.memref_slice %arg11[%dma_start3A_209, %dma_start3A_210] : memref<80x128xi32, #tpu.memory_space<vmem>> -> memref<40x128xi32, #tpu.memory_space<vmem>>
      %dma_start3A_212 = arith.constant 0 : i32
      %dma_start3A_213 = tpu.memref_slice %arg4[%add3A_129, %dma_start3A_212] : memref<1280x128xi32, #tpu.memory_space<hbm>> -> memref<40x128xi32, #tpu.memory_space<hbm>>
      %dma_start3A_214 = arith.constant 40 : i32
      %dma_start3A_215 = arith.constant 0 : i32
      %dma_start3A_216 = tpu.memref_slice %arg11[%dma_start3A_214, %dma_start3A_215] : memref<80x128xi32, #tpu.memory_space<vmem>> -> memref<40x128xi32, #tpu.memory_space<vmem>>
      %dma_start3A_217 = arith.constant 0 : i32
      %dma_start3A_218 = tpu.memref_slice %arg4[%add3A_129, %dma_start3A_217] : memref<1280x128xi32, #tpu.memory_space<hbm>> -> memref<40x128xi32, #tpu.memory_space<hbm>>
      tpu.enqueue_dma source(%dma_start3A_218 : memref<40x128xi32, #tpu.memory_space<hbm>>) target(%dma_start3A_216 : memref<40x128xi32, #tpu.memory_space<vmem>>) target_semaphore(%run_scoped3A_208 : memref<!tpu.dma_semaphore, #tpu.memory_space<semaphore_mem>>)
      %dma_wait3A_219 = arith.constant 40 : i32
      %dma_wait3A_220 = arith.constant 0 : i32
      %dma_wait3A_221 = tpu.memref_slice %arg11[%dma_wait3A_219, %dma_wait3A_220] : memref<80x128xi32, #tpu.memory_space<vmem>> -> memref<40x128xi32, #tpu.memory_space<vmem>>
      %dma_wait3A_222 = arith.constant 0 : i32
      %dma_wait3A_223 = tpu.memref_slice %arg4[%add3A_129, %dma_wait3A_222] : memref<1280x128xi32, #tpu.memory_space<hbm>> -> memref<40x128xi32, #tpu.memory_space<hbm>>
      %dma_wait3A_224 = arith.constant 40 : i32
      %dma_wait3A_225 = arith.constant 0 : i32
      %dma_wait3A_226 = tpu.memref_slice %arg11[%dma_wait3A_224, %dma_wait3A_225] : memref<80x128xi32, #tpu.memory_space<vmem>> -> memref<40x128xi32, #tpu.memory_space<vmem>>
      %dma_wait3A_227 = arith.constant 0 : i32
      %dma_wait3A_228 = tpu.memref_slice %arg4[%add3A_129, %dma_wait3A_227] : memref<1280x128xi32, #tpu.memory_space<hbm>> -> memref<40x128xi32, #tpu.memory_space<hbm>>
      tpu.wait_dma2 semaphore(%run_scoped3A_208 : memref<!tpu.dma_semaphore, #tpu.memory_space<semaphore_mem>>) src(%dma_wait3A_228 : memref<40x128xi32, #tpu.memory_space<hbm>>) dst(%dma_wait3A_226 : memref<40x128xi32, #tpu.memory_space<vmem>>)
      tpu.yield
    }) : () -> ()
    %dma_start3A_130 = arith.constant 0 : i32
    %dma_start3A_131 = arith.constant 0 : i32
    %dma_start3A_132 = arith.constant 0 : i32
    %dma_start3A_133 = arith.constant 0 : i32
    %dma_start3A_134 = tpu.memref_slice %arg12[%dma_start3A_131, %dma_start3A_132, %dma_start3A_133] : memref<2x128x128xf32, #tpu.memory_space<vmem>> -> memref<1x128x128xf32, #tpu.memory_space<vmem>>
    %dma_start3A_135 = tpu.memref_squeeze %dma_start3A_134 : memref<1x128x128xf32, #tpu.memory_space<vmem>> -> memref<128x128xf32, #tpu.memory_space<vmem>>
    %dma_start3A_136 = arith.constant 0 : i32
    %dma_start3A_137 = tpu.memref_slice %arg11[%dma_start3A_130, %dma_start3A_136] : memref<80x128xi32, #tpu.memory_space<vmem>> -> memref<1x128xi32, #tpu.memory_space<vmem>>
    %dma_start3A_138 = tpu.memref_squeeze %dma_start3A_137 : memref<1x128xi32, #tpu.memory_space<vmem>> -> memref<128xi32, #tpu.memory_space<vmem>>
    %dma_start3A_139 = arith.constant 0 : i32
    %dma_start3A_140 = arith.constant 0 : i32
    %dma_start3A_141 = tpu.memref_slice %arg2[%dma_start3A_139, %dma_start3A_140] : memref<20000x128xf32, #tpu.memory_space<hbm>> -> memref<20000x128xf32, #tpu.memory_space<hbm>>
    tpu.enqueue_indirect_dma source(%dma_start3A_141 : memref<20000x128xf32, #tpu.memory_space<hbm>>) target(%dma_start3A_135 : memref<128x128xf32, #tpu.memory_space<vmem>>) offsets(%dma_start3A_138 : memref<128xi32, #tpu.memory_space<vmem>>) semaphore(%arg17 : memref<!tpu.dma_semaphore, #tpu.memory_space<semaphore_mem>>)
    %dma_start3A_142 = arith.constant 1 : i32
    %dma_start3A_143 = arith.constant 1 : i32
    %dma_start3A_144 = arith.constant 0 : i32
    %dma_start3A_145 = arith.constant 0 : i32
    %dma_start3A_146 = tpu.memref_slice %arg12[%dma_start3A_143, %dma_start3A_144, %dma_start3A_145] : memref<2x128x128xf32, #tpu.memory_space<vmem>> -> memref<1x128x128xf32, #tpu.memory_space<vmem>>
    %dma_start3A_147 = tpu.memref_squeeze %dma_start3A_146 : memref<1x128x128xf32, #tpu.memory_space<vmem>> -> memref<128x128xf32, #tpu.memory_space<vmem>>
    %dma_start3A_148 = arith.constant 0 : i32
    %dma_start3A_149 = tpu.memref_slice %arg11[%dma_start3A_142, %dma_start3A_148] : memref<80x128xi32, #tpu.memory_space<vmem>> -> memref<1x128xi32, #tpu.memory_space<vmem>>
    %dma_start3A_150 = tpu.memref_squeeze %dma_start3A_149 : memref<1x128xi32, #tpu.memory_space<vmem>> -> memref<128xi32, #tpu.memory_space<vmem>>
    %dma_start3A_151 = arith.constant 0 : i32
    %dma_start3A_152 = arith.constant 0 : i32
    %dma_start3A_153 = tpu.memref_slice %arg2[%dma_start3A_151, %dma_start3A_152] : memref<20000x128xf32, #tpu.memory_space<hbm>> -> memref<20000x128xf32, #tpu.memory_space<hbm>>
    tpu.enqueue_indirect_dma source(%dma_start3A_153 : memref<20000x128xf32, #tpu.memory_space<hbm>>) target(%dma_start3A_147 : memref<128x128xf32, #tpu.memory_space<vmem>>) offsets(%dma_start3A_150 : memref<128xi32, #tpu.memory_space<vmem>>) semaphore(%arg18 : memref<!tpu.dma_semaphore, #tpu.memory_space<semaphore_mem>>)
    %scan3A_154 = arith.constant 0 : i32
    %scan3A_155 = arith.constant 19 : i32
    %scan3A_156 = arith.addi %scan3A_154, %scan3A_155 : i32
    %scan3A_157 = arith.constant 1 : i32
    scf.for %scan3A_208 = %scan3A_154 to %scan3A_156 step %scan3A_157  : i32 {
      %mul3A_209 = arith.constant 1 : i32
      %mul3A_210 = arith.muli %scan3A_208, %mul3A_209 : i32
      %add3A_211 = arith.constant 0 : i32
      %add3A_212 = arith.addi %add3A_211, %mul3A_210 : i32
      %mul3A_213 = arith.constant 2 : i32
      %mul3A_214 = arith.muli %mul3A_213, %add3A_212 : i32
      %add3A_215 = arith.constant 0 : i32
      %add3A_216 = arith.addi %mul3A_214, %add3A_215 : i32
      %dma_wait3A_217 = arith.constant 0 : i32
      %dma_wait3A_218 = arith.constant 0 : i32
      %dma_wait3A_219 = arith.constant 0 : i32
      %dma_wait3A_220 = tpu.memref_slice %arg12[%dma_wait3A_217, %dma_wait3A_218, %dma_wait3A_219] : memref<2x128x128xf32, #tpu.memory_space<vmem>> -> memref<1x128x128xf32, #tpu.memory_space<vmem>>
      %dma_wait3A_221 = tpu.memref_squeeze %dma_wait3A_220 : memref<1x128x128xf32, #tpu.memory_space<vmem>> -> memref<128x128xf32, #tpu.memory_space<vmem>>
      %dma_wait3A_222 = arith.constant 0 : i32
      %dma_wait3A_223 = tpu.memref_slice %arg11[%add3A_216, %dma_wait3A_222] : memref<80x128xi32, #tpu.memory_space<vmem>> -> memref<1x128xi32, #tpu.memory_space<vmem>>
      %dma_wait3A_224 = tpu.memref_squeeze %dma_wait3A_223 : memref<1x128xi32, #tpu.memory_space<vmem>> -> memref<128xi32, #tpu.memory_space<vmem>>
      %dma_wait3A_225 = arith.constant 0 : i32
      %dma_wait3A_226 = arith.constant 0 : i32
      %dma_wait3A_227 = tpu.memref_slice %arg2[%dma_wait3A_225, %dma_wait3A_226] : memref<20000x128xf32, #tpu.memory_space<hbm>> -> memref<20000x128xf32, #tpu.memory_space<hbm>>
      tpu.wait_indirect_dma semaphore(%arg17 : memref<!tpu.dma_semaphore, #tpu.memory_space<semaphore_mem>>) src(%dma_wait3A_227 : memref<20000x128xf32, #tpu.memory_space<hbm>>) dst(%dma_wait3A_221 : memref<128x128xf32, #tpu.memory_space<vmem>>)
      %add3A_228 = arith.constant 40 : i32
      %add3A_229 = arith.addi %add3A_228, %add3A_216 : i32
      %run_scoped3A_230 = arith.constant 0 : i32
      "tpu.region"() ({
        %run_scoped3A_293 = tpu.sem_alloc : memref<!tpu.dma_semaphore, #tpu.memory_space<semaphore_mem>>
        %dma_start3A_294 = arith.constant 0 : i32
        %dma_start3A_295 = arith.constant 0 : i32
        %dma_start3A_296 = tpu.memref_slice %arg12[%run_scoped3A_230, %dma_start3A_294, %dma_start3A_295] : memref<2x128x128xf32, #tpu.memory_space<vmem>> -> memref<1x128x128xf32, #tpu.memory_space<vmem>>
        %dma_start3A_297 = tpu.memref_squeeze %dma_start3A_296 : memref<1x128x128xf32, #tpu.memory_space<vmem>> -> memref<128x128xf32, #tpu.memory_space<vmem>>
        %dma_start3A_298 = arith.constant 0 : i32
        %dma_start3A_299 = tpu.memref_slice %arg11[%add3A_229, %dma_start3A_298] : memref<80x128xi32, #tpu.memory_space<vmem>> -> memref<1x128xi32, #tpu.memory_space<vmem>>
        %dma_start3A_300 = tpu.memref_squeeze %dma_start3A_299 : memref<1x128xi32, #tpu.memory_space<vmem>> -> memref<128xi32, #tpu.memory_space<vmem>>
        %dma_start3A_301 = arith.constant 0 : i32
        %dma_start3A_302 = arith.constant 0 : i32
        %dma_start3A_303 = tpu.memref_slice %arg15[%dma_start3A_301, %dma_start3A_302] : memref<10112x128xf32, #tpu.memory_space<vmem_shared>> -> memref<10112x128xf32, #tpu.memory_space<vmem_shared>>
        tpu.enqueue_indirect_dma source(%dma_start3A_297 : memref<128x128xf32, #tpu.memory_space<vmem>>) target(%dma_start3A_303 : memref<10112x128xf32, #tpu.memory_space<vmem_shared>>) offsets(%dma_start3A_300 : memref<128xi32, #tpu.memory_space<vmem>>) semaphore(%run_scoped3A_293 : memref<!tpu.dma_semaphore, #tpu.memory_space<semaphore_mem>>) {add = true}
        %dma_wait3A_304 = arith.constant 0 : i32
        %dma_wait3A_305 = arith.constant 0 : i32
        %dma_wait3A_306 = tpu.memref_slice %arg12[%run_scoped3A_230, %dma_wait3A_304, %dma_wait3A_305] : memref<2x128x128xf32, #tpu.memory_space<vmem>> -> memref<1x128x128xf32, #tpu.memory_space<vmem>>
        %dma_wait3A_307 = tpu.memref_squeeze %dma_wait3A_306 : memref<1x128x128xf32, #tpu.memory_space<vmem>> -> memref<128x128xf32, #tpu.memory_space<vmem>>
        %dma_wait3A_308 = arith.constant 0 : i32
        %dma_wait3A_309 = tpu.memref_slice %arg11[%add3A_229, %dma_wait3A_308] : memref<80x128xi32, #tpu.memory_space<vmem>> -> memref<1x128xi32, #tpu.memory_space<vmem>>
        %dma_wait3A_310 = tpu.memref_squeeze %dma_wait3A_309 : memref<1x128xi32, #tpu.memory_space<vmem>> -> memref<128xi32, #tpu.memory_space<vmem>>
        %dma_wait3A_311 = arith.constant 0 : i32
        %dma_wait3A_312 = arith.constant 0 : i32
        %dma_wait3A_313 = tpu.memref_slice %arg15[%dma_wait3A_311, %dma_wait3A_312] : memref<10112x128xf32, #tpu.memory_space<vmem_shared>> -> memref<10112x128xf32, #tpu.memory_space<vmem_shared>>
        tpu.wait_indirect_dma semaphore(%run_scoped3A_293 : memref<!tpu.dma_semaphore, #tpu.memory_space<semaphore_mem>>) src(%dma_wait3A_307 : memref<128x128xf32, #tpu.memory_space<vmem>>) dst(%dma_wait3A_313 : memref<10112x128xf32, #tpu.memory_space<vmem_shared>>)
        tpu.yield
      }) : () -> ()
      %mul3A_231 = arith.constant 2 : i32
      %mul3A_232 = arith.muli %mul3A_231, %add3A_212 : i32
      %add3A_233 = arith.constant 0 : i32
      %add3A_234 = arith.addi %mul3A_232, %add3A_233 : i32
      %add3A_235 = arith.constant 2 : i32
      %add3A_236 = arith.addi %add3A_234, %add3A_235 : i32
      %dma_start3A_237 = arith.constant 0 : i32
      %dma_start3A_238 = arith.constant 0 : i32
      %dma_start3A_239 = arith.constant 0 : i32
      %dma_start3A_240 = tpu.memref_slice %arg12[%dma_start3A_237, %dma_start3A_238, %dma_start3A_239] : memref<2x128x128xf32, #tpu.memory_space<vmem>> -> memref<1x128x128xf32, #tpu.memory_space<vmem>>
      %dma_start3A_241 = tpu.memref_squeeze %dma_start3A_240 : memref<1x128x128xf32, #tpu.memory_space<vmem>> -> memref<128x128xf32, #tpu.memory_space<vmem>>
      %dma_start3A_242 = arith.constant 0 : i32
      %dma_start3A_243 = tpu.memref_slice %arg11[%add3A_236, %dma_start3A_242] : memref<80x128xi32, #tpu.memory_space<vmem>> -> memref<1x128xi32, #tpu.memory_space<vmem>>
      %dma_start3A_244 = tpu.memref_squeeze %dma_start3A_243 : memref<1x128xi32, #tpu.memory_space<vmem>> -> memref<128xi32, #tpu.memory_space<vmem>>
      %dma_start3A_245 = arith.constant 0 : i32
      %dma_start3A_246 = arith.constant 0 : i32
      %dma_start3A_247 = tpu.memref_slice %arg2[%dma_start3A_245, %dma_start3A_246] : memref<20000x128xf32, #tpu.memory_space<hbm>> -> memref<20000x128xf32, #tpu.memory_space<hbm>>
      tpu.enqueue_indirect_dma source(%dma_start3A_247 : memref<20000x128xf32, #tpu.memory_space<hbm>>) target(%dma_start3A_241 : memref<128x128xf32, #tpu.memory_space<vmem>>) offsets(%dma_start3A_244 : memref<128xi32, #tpu.memory_space<vmem>>) semaphore(%arg17 : memref<!tpu.dma_semaphore, #tpu.memory_space<semaphore_mem>>)
      %eq3A_248 = arith.constant 0 : i32
      %eq3A_249 = arith.cmpi eq, %arg0, %eq3A_248 : i32
      %convert_element_type3A_250 = arith.extui %eq3A_249 : i1 to i32
      %cond3A_251 = arith.constant 0 : i32
      %cond3A_252 = arith.cmpi ne, %convert_element_type3A_250, %cond3A_251 : i32
      scf.if %cond3A_252 {
        %add3A_293 = arith.constant 40 : i32
        %add3A_294 = arith.addi %add3A_293, %add3A_216 : i32
        "tpu.region"() ({
          %run_scoped3A_295 = tpu.sem_alloc : memref<!tpu.dma_semaphore, #tpu.memory_space<semaphore_mem>>
          %dma_start3A_296 = arith.constant 0 : i32
          %dma_start3A_297 = tpu.memref_slice %arg11[%add3A_294, %dma_start3A_296] : memref<80x128xi32, #tpu.memory_space<vmem>> -> memref<1x128xi32, #tpu.memory_space<vmem>>
          %dma_start3A_298 = tpu.memref_squeeze %dma_start3A_297 : memref<1x128xi32, #tpu.memory_space<vmem>> -> memref<128xi32, #tpu.memory_space<vmem>>
          %dma_start3A_299 = arith.constant 0 : i32
          %dma_start3A_300 = tpu.memref_slice %arg16[%dma_start3A_299] : memref<10112xf32, #tpu.memory_space<vmem_shared>> -> memref<10112xf32, #tpu.memory_space<vmem_shared>>
          tpu.enqueue_indirect_dma source(%arg13 : memref<128xf32, #tpu.memory_space<vmem>>) target(%dma_start3A_300 : memref<10112xf32, #tpu.memory_space<vmem_shared>>) offsets(%dma_start3A_298 : memref<128xi32, #tpu.memory_space<vmem>>) semaphore(%run_scoped3A_295 : memref<!tpu.dma_semaphore, #tpu.memory_space<semaphore_mem>>) {add = true}
          %dma_wait3A_301 = arith.constant 0 : i32
          %dma_wait3A_302 = tpu.memref_slice %arg11[%add3A_294, %dma_wait3A_301] : memref<80x128xi32, #tpu.memory_space<vmem>> -> memref<1x128xi32, #tpu.memory_space<vmem>>
          %dma_wait3A_303 = tpu.memref_squeeze %dma_wait3A_302 : memref<1x128xi32, #tpu.memory_space<vmem>> -> memref<128xi32, #tpu.memory_space<vmem>>
          %dma_wait3A_304 = arith.constant 0 : i32
          %dma_wait3A_305 = tpu.memref_slice %arg16[%dma_wait3A_304] : memref<10112xf32, #tpu.memory_space<vmem_shared>> -> memref<10112xf32, #tpu.memory_space<vmem_shared>>
          tpu.wait_indirect_dma semaphore(%run_scoped3A_295 : memref<!tpu.dma_semaphore, #tpu.memory_space<semaphore_mem>>) src(%arg13 : memref<128xf32, #tpu.memory_space<vmem>>) dst(%dma_wait3A_305 : memref<10112xf32, #tpu.memory_space<vmem_shared>>)
          tpu.yield
        }) : () -> ()
      } else {
      }
      %mul3A_253 = arith.constant 2 : i32
      %mul3A_254 = arith.muli %mul3A_253, %add3A_212 : i32
      %add3A_255 = arith.constant 1 : i32
      %add3A_256 = arith.addi %mul3A_254, %add3A_255 : i32
      %dma_wait3A_257 = arith.constant 1 : i32
      %dma_wait3A_258 = arith.constant 0 : i32
      %dma_wait3A_259 = arith.constant 0 : i32
      %dma_wait3A_260 = tpu.memref_slice %arg12[%dma_wait3A_257, %dma_wait3A_258, %dma_wait3A_259] : memref<2x128x128xf32, #tpu.memory_space<vmem>> -> memref<1x128x128xf32, #tpu.memory_space<vmem>>
      %dma_wait3A_261 = tpu.memref_squeeze %dma_wait3A_260 : memref<1x128x128xf32, #tpu.memory_space<vmem>> -> memref<128x128xf32, #tpu.memory_space<vmem>>
      %dma_wait3A_262 = arith.constant 0 : i32
      %dma_wait3A_263 = tpu.memref_slice %arg11[%add3A_256, %dma_wait3A_262] : memref<80x128xi32, #tpu.memory_space<vmem>> -> memref<1x128xi32, #tpu.memory_space<vmem>>
      %dma_wait3A_264 = tpu.memref_squeeze %dma_wait3A_263 : memref<1x128xi32, #tpu.memory_space<vmem>> -> memref<128xi32, #tpu.memory_space<vmem>>
      %dma_wait3A_265 = arith.constant 0 : i32
      %dma_wait3A_266 = arith.constant 0 : i32
      %dma_wait3A_267 = tpu.memref_slice %arg2[%dma_wait3A_265, %dma_wait3A_266] : memref<20000x128xf32, #tpu.memory_space<hbm>> -> memref<20000x128xf32, #tpu.memory_space<hbm>>
      tpu.wait_indirect_dma semaphore(%arg18 : memref<!tpu.dma_semaphore, #tpu.memory_space<semaphore_mem>>) src(%dma_wait3A_267 : memref<20000x128xf32, #tpu.memory_space<hbm>>) dst(%dma_wait3A_261 : memref<128x128xf32, #tpu.memory_space<vmem>>)
      %add3A_268 = arith.constant 40 : i32
      %add3A_269 = arith.addi %add3A_268, %add3A_256 : i32
      %run_scoped3A_270 = arith.constant 1 : i32
      "tpu.region"() ({
        %run_scoped3A_293 = tpu.sem_alloc : memref<!tpu.dma_semaphore, #tpu.memory_space<semaphore_mem>>
        %dma_start3A_294 = arith.constant 0 : i32
        %dma_start3A_295 = arith.constant 0 : i32
        %dma_start3A_296 = tpu.memref_slice %arg12[%run_scoped3A_270, %dma_start3A_294, %dma_start3A_295] : memref<2x128x128xf32, #tpu.memory_space<vmem>> -> memref<1x128x128xf32, #tpu.memory_space<vmem>>
        %dma_start3A_297 = tpu.memref_squeeze %dma_start3A_296 : memref<1x128x128xf32, #tpu.memory_space<vmem>> -> memref<128x128xf32, #tpu.memory_space<vmem>>
        %dma_start3A_298 = arith.constant 0 : i32
        %dma_start3A_299 = tpu.memref_slice %arg11[%add3A_269, %dma_start3A_298] : memref<80x128xi32, #tpu.memory_space<vmem>> -> memref<1x128xi32, #tpu.memory_space<vmem>>
        %dma_start3A_300 = tpu.memref_squeeze %dma_start3A_299 : memref<1x128xi32, #tpu.memory_space<vmem>> -> memref<128xi32, #tpu.memory_space<vmem>>
        %dma_start3A_301 = arith.constant 0 : i32
        %dma_start3A_302 = arith.constant 0 : i32
        %dma_start3A_303 = tpu.memref_slice %arg15[%dma_start3A_301, %dma_start3A_302] : memref<10112x128xf32, #tpu.memory_space<vmem_shared>> -> memref<10112x128xf32, #tpu.memory_space<vmem_shared>>
        tpu.enqueue_indirect_dma source(%dma_start3A_297 : memref<128x128xf32, #tpu.memory_space<vmem>>) target(%dma_start3A_303 : memref<10112x128xf32, #tpu.memory_space<vmem_shared>>) offsets(%dma_start3A_300 : memref<128xi32, #tpu.memory_space<vmem>>) semaphore(%run_scoped3A_293 : memref<!tpu.dma_semaphore, #tpu.memory_space<semaphore_mem>>) {add = true}
        %dma_wait3A_304 = arith.constant 0 : i32
        %dma_wait3A_305 = arith.constant 0 : i32
        %dma_wait3A_306 = tpu.memref_slice %arg12[%run_scoped3A_270, %dma_wait3A_304, %dma_wait3A_305] : memref<2x128x128xf32, #tpu.memory_space<vmem>> -> memref<1x128x128xf32, #tpu.memory_space<vmem>>
        %dma_wait3A_307 = tpu.memref_squeeze %dma_wait3A_306 : memref<1x128x128xf32, #tpu.memory_space<vmem>> -> memref<128x128xf32, #tpu.memory_space<vmem>>
        %dma_wait3A_308 = arith.constant 0 : i32
        %dma_wait3A_309 = tpu.memref_slice %arg11[%add3A_269, %dma_wait3A_308] : memref<80x128xi32, #tpu.memory_space<vmem>> -> memref<1x128xi32, #tpu.memory_space<vmem>>
        %dma_wait3A_310 = tpu.memref_squeeze %dma_wait3A_309 : memref<1x128xi32, #tpu.memory_space<vmem>> -> memref<128xi32, #tpu.memory_space<vmem>>
        %dma_wait3A_311 = arith.constant 0 : i32
        %dma_wait3A_312 = arith.constant 0 : i32
        %dma_wait3A_313 = tpu.memref_slice %arg15[%dma_wait3A_311, %dma_wait3A_312] : memref<10112x128xf32, #tpu.memory_space<vmem_shared>> -> memref<10112x128xf32, #tpu.memory_space<vmem_shared>>
        tpu.wait_indirect_dma semaphore(%run_scoped3A_293 : memref<!tpu.dma_semaphore, #tpu.memory_space<semaphore_mem>>) src(%dma_wait3A_307 : memref<128x128xf32, #tpu.memory_space<vmem>>) dst(%dma_wait3A_313 : memref<10112x128xf32, #tpu.memory_space<vmem_shared>>)
        tpu.yield
      }) : () -> ()
      %mul3A_271 = arith.constant 2 : i32
      %mul3A_272 = arith.muli %mul3A_271, %add3A_212 : i32
      %add3A_273 = arith.constant 1 : i32
      %add3A_274 = arith.addi %mul3A_272, %add3A_273 : i32
      %add3A_275 = arith.constant 2 : i32
      %add3A_276 = arith.addi %add3A_274, %add3A_275 : i32
      %dma_start3A_277 = arith.constant 1 : i32
      %dma_start3A_278 = arith.constant 0 : i32
      %dma_start3A_279 = arith.constant 0 : i32
      %dma_start3A_280 = tpu.memref_slice %arg12[%dma_start3A_277, %dma_start3A_278, %dma_start3A_279] : memref<2x128x128xf32, #tpu.memory_space<vmem>> -> memref<1x128x128xf32, #tpu.memory_space<vmem>>
      %dma_start3A_281 = tpu.memref_squeeze %dma_start3A_280 : memref<1x128x128xf32, #tpu.memory_space<vmem>> -> memref<128x128xf32, #tpu.memory_space<vmem>>
      %dma_start3A_282 = arith.constant 0 : i32
      %dma_start3A_283 = tpu.memref_slice %arg11[%add3A_276, %dma_start3A_282] : memref<80x128xi32, #tpu.memory_space<vmem>> -> memref<1x128xi32, #tpu.memory_space<vmem>>
      %dma_start3A_284 = tpu.memref_squeeze %dma_start3A_283 : memref<1x128xi32, #tpu.memory_space<vmem>> -> memref<128xi32, #tpu.memory_space<vmem>>
      %dma_start3A_285 = arith.constant 0 : i32
      %dma_start3A_286 = arith.constant 0 : i32
      %dma_start3A_287 = tpu.memref_slice %arg2[%dma_start3A_285, %dma_start3A_286] : memref<20000x128xf32, #tpu.memory_space<hbm>> -> memref<20000x128xf32, #tpu.memory_space<hbm>>
      tpu.enqueue_indirect_dma source(%dma_start3A_287 : memref<20000x128xf32, #tpu.memory_space<hbm>>) target(%dma_start3A_281 : memref<128x128xf32, #tpu.memory_space<vmem>>) offsets(%dma_start3A_284 : memref<128xi32, #tpu.memory_space<vmem>>) semaphore(%arg18 : memref<!tpu.dma_semaphore, #tpu.memory_space<semaphore_mem>>)
      %eq3A_288 = arith.constant 1 : i32
      %eq3A_289 = arith.cmpi eq, %arg0, %eq3A_288 : i32
      %convert_element_type3A_290 = arith.extui %eq3A_289 : i1 to i32
      %cond3A_291 = arith.constant 0 : i32
      %cond3A_292 = arith.cmpi ne, %convert_element_type3A_290, %cond3A_291 : i32
      scf.if %cond3A_292 {
        %add3A_293 = arith.constant 40 : i32
        %add3A_294 = arith.addi %add3A_293, %add3A_256 : i32
        "tpu.region"() ({
          %run_scoped3A_295 = tpu.sem_alloc : memref<!tpu.dma_semaphore, #tpu.memory_space<semaphore_mem>>
          %dma_start3A_296 = arith.constant 0 : i32
          %dma_start3A_297 = tpu.memref_slice %arg11[%add3A_294, %dma_start3A_296] : memref<80x128xi32, #tpu.memory_space<vmem>> -> memref<1x128xi32, #tpu.memory_space<vmem>>
          %dma_start3A_298 = tpu.memref_squeeze %dma_start3A_297 : memref<1x128xi32, #tpu.memory_space<vmem>> -> memref<128xi32, #tpu.memory_space<vmem>>
          %dma_start3A_299 = arith.constant 0 : i32
          %dma_start3A_300 = tpu.memref_slice %arg16[%dma_start3A_299] : memref<10112xf32, #tpu.memory_space<vmem_shared>> -> memref<10112xf32, #tpu.memory_space<vmem_shared>>
          tpu.enqueue_indirect_dma source(%arg13 : memref<128xf32, #tpu.memory_space<vmem>>) target(%dma_start3A_300 : memref<10112xf32, #tpu.memory_space<vmem_shared>>) offsets(%dma_start3A_298 : memref<128xi32, #tpu.memory_space<vmem>>) semaphore(%run_scoped3A_295 : memref<!tpu.dma_semaphore, #tpu.memory_space<semaphore_mem>>) {add = true}
          %dma_wait3A_301 = arith.constant 0 : i32
          %dma_wait3A_302 = tpu.memref_slice %arg11[%add3A_294, %dma_wait3A_301] : memref<80x128xi32, #tpu.memory_space<vmem>> -> memref<1x128xi32, #tpu.memory_space<vmem>>
          %dma_wait3A_303 = tpu.memref_squeeze %dma_wait3A_302 : memref<1x128xi32, #tpu.memory_space<vmem>> -> memref<128xi32, #tpu.memory_space<vmem>>
          %dma_wait3A_304 = arith.constant 0 : i32
          %dma_wait3A_305 = tpu.memref_slice %arg16[%dma_wait3A_304] : memref<10112xf32, #tpu.memory_space<vmem_shared>> -> memref<10112xf32, #tpu.memory_space<vmem_shared>>
          tpu.wait_indirect_dma semaphore(%run_scoped3A_295 : memref<!tpu.dma_semaphore, #tpu.memory_space<semaphore_mem>>) src(%arg13 : memref<128xf32, #tpu.memory_space<vmem>>) dst(%dma_wait3A_305 : memref<10112xf32, #tpu.memory_space<vmem_shared>>)
          tpu.yield
        }) : () -> ()
      } else {
      }
    }
    %scan3A_158 = arith.constant 19 : i32
    %dma_wait3A_159 = arith.constant 38 : i32
    %dma_wait3A_160 = arith.constant 0 : i32
    %dma_wait3A_161 = arith.constant 0 : i32
    %dma_wait3A_162 = arith.constant 0 : i32
    %dma_wait3A_163 = tpu.memref_slice %arg12[%dma_wait3A_160, %dma_wait3A_161, %dma_wait3A_162] : memref<2x128x128xf32, #tpu.memory_space<vmem>> -> memref<1x128x128xf32, #tpu.memory_space<vmem>>
    %dma_wait3A_164 = tpu.memref_squeeze %dma_wait3A_163 : memref<1x128x128xf32, #tpu.memory_space<vmem>> -> memref<128x128xf32, #tpu.memory_space<vmem>>
    %dma_wait3A_165 = arith.constant 0 : i32
    %dma_wait3A_166 = tpu.memref_slice %arg11[%dma_wait3A_159, %dma_wait3A_165] : memref<80x128xi32, #tpu.memory_space<vmem>> -> memref<1x128xi32, #tpu.memory_space<vmem>>
    %dma_wait3A_167 = tpu.memref_squeeze %dma_wait3A_166 : memref<1x128xi32, #tpu.memory_space<vmem>> -> memref<128xi32, #tpu.memory_space<vmem>>
    %dma_wait3A_168 = arith.constant 0 : i32
    %dma_wait3A_169 = arith.constant 0 : i32
    %dma_wait3A_170 = tpu.memref_slice %arg2[%dma_wait3A_168, %dma_wait3A_169] : memref<20000x128xf32, #tpu.memory_space<hbm>> -> memref<20000x128xf32, #tpu.memory_space<hbm>>
    tpu.wait_indirect_dma semaphore(%arg17 : memref<!tpu.dma_semaphore, #tpu.memory_space<semaphore_mem>>) src(%dma_wait3A_170 : memref<20000x128xf32, #tpu.memory_space<hbm>>) dst(%dma_wait3A_164 : memref<128x128xf32, #tpu.memory_space<vmem>>)
    %run_scoped3A_171 = arith.constant 0 : i32
    %run_scoped3A_172 = arith.constant 78 : i32
    "tpu.region"() ({
      %run_scoped3A_208 = tpu.sem_alloc : memref<!tpu.dma_semaphore, #tpu.memory_space<semaphore_mem>>
      %dma_start3A_209 = arith.constant 0 : i32
      %dma_start3A_210 = arith.constant 0 : i32
      %dma_start3A_211 = tpu.memref_slice %arg12[%run_scoped3A_171, %dma_start3A_209, %dma_start3A_210] : memref<2x128x128xf32, #tpu.memory_space<vmem>> -> memref<1x128x128xf32, #tpu.memory_space<vmem>>
      %dma_start3A_212 = tpu.memref_squeeze %dma_start3A_211 : memref<1x128x128xf32, #tpu.memory_space<vmem>> -> memref<128x128xf32, #tpu.memory_space<vmem>>
      %dma_start3A_213 = arith.constant 0 : i32
      %dma_start3A_214 = tpu.memref_slice %arg11[%run_scoped3A_172, %dma_start3A_213] : memref<80x128xi32, #tpu.memory_space<vmem>> -> memref<1x128xi32, #tpu.memory_space<vmem>>
      %dma_start3A_215 = tpu.memref_squeeze %dma_start3A_214 : memref<1x128xi32, #tpu.memory_space<vmem>> -> memref<128xi32, #tpu.memory_space<vmem>>
      %dma_start3A_216 = arith.constant 0 : i32
      %dma_start3A_217 = arith.constant 0 : i32
      %dma_start3A_218 = tpu.memref_slice %arg15[%dma_start3A_216, %dma_start3A_217] : memref<10112x128xf32, #tpu.memory_space<vmem_shared>> -> memref<10112x128xf32, #tpu.memory_space<vmem_shared>>
      tpu.enqueue_indirect_dma source(%dma_start3A_212 : memref<128x128xf32, #tpu.memory_space<vmem>>) target(%dma_start3A_218 : memref<10112x128xf32, #tpu.memory_space<vmem_shared>>) offsets(%dma_start3A_215 : memref<128xi32, #tpu.memory_space<vmem>>) semaphore(%run_scoped3A_208 : memref<!tpu.dma_semaphore, #tpu.memory_space<semaphore_mem>>) {add = true}
      %dma_wait3A_219 = arith.constant 0 : i32
      %dma_wait3A_220 = arith.constant 0 : i32
      %dma_wait3A_221 = tpu.memref_slice %arg12[%run_scoped3A_171, %dma_wait3A_219, %dma_wait3A_220] : memref<2x128x128xf32, #tpu.memory_space<vmem>> -> memref<1x128x128xf32, #tpu.memory_space<vmem>>
      %dma_wait3A_222 = tpu.memref_squeeze %dma_wait3A_221 : memref<1x128x128xf32, #tpu.memory_space<vmem>> -> memref<128x128xf32, #tpu.memory_space<vmem>>
      %dma_wait3A_223 = arith.constant 0 : i32
      %dma_wait3A_224 = tpu.memref_slice %arg11[%run_scoped3A_172, %dma_wait3A_223] : memref<80x128xi32, #tpu.memory_space<vmem>> -> memref<1x128xi32, #tpu.memory_space<vmem>>
      %dma_wait3A_225 = tpu.memref_squeeze %dma_wait3A_224 : memref<1x128xi32, #tpu.memory_space<vmem>> -> memref<128xi32, #tpu.memory_space<vmem>>
      %dma_wait3A_226 = arith.constant 0 : i32
      %dma_wait3A_227 = arith.constant 0 : i32
      %dma_wait3A_228 = tpu.memref_slice %arg15[%dma_wait3A_226, %dma_wait3A_227] : memref<10112x128xf32, #tpu.memory_space<vmem_shared>> -> memref<10112x128xf32, #tpu.memory_space<vmem_shared>>
      tpu.wait_indirect_dma semaphore(%run_scoped3A_208 : memref<!tpu.dma_semaphore, #tpu.memory_space<semaphore_mem>>) src(%dma_wait3A_222 : memref<128x128xf32, #tpu.memory_space<vmem>>) dst(%dma_wait3A_228 : memref<10112x128xf32, #tpu.memory_space<vmem_shared>>)
      tpu.yield
    }) : () -> ()
    %eq3A_173 = arith.constant 0 : i32
    %eq3A_174 = arith.cmpi eq, %arg0, %eq3A_173 : i32
    %convert_element_type3A_175 = arith.extui %eq3A_174 : i1 to i32
    %cond3A_176 = arith.constant 0 : i32
    %cond3A_177 = arith.cmpi ne, %convert_element_type3A_175, %cond3A_176 : i32
    scf.if %cond3A_177 {
      %run_scoped3A_208 = arith.constant 78 : i32
      "tpu.region"() ({
        %run_scoped3A_209 = tpu.sem_alloc : memref<!tpu.dma_semaphore, #tpu.memory_space<semaphore_mem>>
        %dma_start3A_210 = arith.constant 0 : i32
        %dma_start3A_211 = tpu.memref_slice %arg11[%run_scoped3A_208, %dma_start3A_210] : memref<80x128xi32, #tpu.memory_space<vmem>> -> memref<1x128xi32, #tpu.memory_space<vmem>>
        %dma_start3A_212 = tpu.memref_squeeze %dma_start3A_211 : memref<1x128xi32, #tpu.memory_space<vmem>> -> memref<128xi32, #tpu.memory_space<vmem>>
        %dma_start3A_213 = arith.constant 0 : i32
        %dma_start3A_214 = tpu.memref_slice %arg16[%dma_start3A_213] : memref<10112xf32, #tpu.memory_space<vmem_shared>> -> memref<10112xf32, #tpu.memory_space<vmem_shared>>
        tpu.enqueue_indirect_dma source(%arg13 : memref<128xf32, #tpu.memory_space<vmem>>) target(%dma_start3A_214 : memref<10112xf32, #tpu.memory_space<vmem_shared>>) offsets(%dma_start3A_212 : memref<128xi32, #tpu.memory_space<vmem>>) semaphore(%run_scoped3A_209 : memref<!tpu.dma_semaphore, #tpu.memory_space<semaphore_mem>>) {add = true}
        %dma_wait3A_215 = arith.constant 0 : i32
        %dma_wait3A_216 = tpu.memref_slice %arg11[%run_scoped3A_208, %dma_wait3A_215] : memref<80x128xi32, #tpu.memory_space<vmem>> -> memref<1x128xi32, #tpu.memory_space<vmem>>
        %dma_wait3A_217 = tpu.memref_squeeze %dma_wait3A_216 : memref<1x128xi32, #tpu.memory_space<vmem>> -> memref<128xi32, #tpu.memory_space<vmem>>
        %dma_wait3A_218 = arith.constant 0 : i32
        %dma_wait3A_219 = tpu.memref_slice %arg16[%dma_wait3A_218] : memref<10112xf32, #tpu.memory_space<vmem_shared>> -> memref<10112xf32, #tpu.memory_space<vmem_shared>>
        tpu.wait_indirect_dma semaphore(%run_scoped3A_209 : memref<!tpu.dma_semaphore, #tpu.memory_space<semaphore_mem>>) src(%arg13 : memref<128xf32, #tpu.memory_space<vmem>>) dst(%dma_wait3A_219 : memref<10112xf32, #tpu.memory_space<vmem_shared>>)
        tpu.yield
      }) : () -> ()
    } else {
    }
    %dma_wait3A_178 = arith.constant 39 : i32
    %dma_wait3A_179 = arith.constant 1 : i32
    %dma_wait3A_180 = arith.constant 0 : i32
    %dma_wait3A_181 = arith.constant 0 : i32
    %dma_wait3A_182 = tpu.memref_slice %arg12[%dma_wait3A_179, %dma_wait3A_180, %dma_wait3A_181] : memref<2x128x128xf32, #tpu.memory_space<vmem>> -> memref<1x128x128xf32, #tpu.memory_space<vmem>>
    %dma_wait3A_183 = tpu.memref_squeeze %dma_wait3A_182 : memref<1x128x128xf32, #tpu.memory_space<vmem>> -> memref<128x128xf32, #tpu.memory_space<vmem>>
    %dma_wait3A_184 = arith.constant 0 : i32
    %dma_wait3A_185 = tpu.memref_slice %arg11[%dma_wait3A_178, %dma_wait3A_184] : memref<80x128xi32, #tpu.memory_space<vmem>> -> memref<1x128xi32, #tpu.memory_space<vmem>>
    %dma_wait3A_186 = tpu.memref_squeeze %dma_wait3A_185 : memref<1x128xi32, #tpu.memory_space<vmem>> -> memref<128xi32, #tpu.memory_space<vmem>>
    %dma_wait3A_187 = arith.constant 0 : i32
    %dma_wait3A_188 = arith.constant 0 : i32
    %dma_wait3A_189 = tpu.memref_slice %arg2[%dma_wait3A_187, %dma_wait3A_188] : memref<20000x128xf32, #tpu.memory_space<hbm>> -> memref<20000x128xf32, #tpu.memory_space<hbm>>
    tpu.wait_indirect_dma semaphore(%arg18 : memref<!tpu.dma_semaphore, #tpu.memory_space<semaphore_mem>>) src(%dma_wait3A_189 : memref<20000x128xf32, #tpu.memory_space<hbm>>) dst(%dma_wait3A_183 : memref<128x128xf32, #tpu.memory_space<vmem>>)
    %run_scoped3A_190 = arith.constant 1 : i32
    %run_scoped3A_191 = arith.constant 79 : i32
    "tpu.region"() ({
      %run_scoped3A_208 = tpu.sem_alloc : memref<!tpu.dma_semaphore, #tpu.memory_space<semaphore_mem>>
      %dma_start3A_209 = arith.constant 0 : i32
      %dma_start3A_210 = arith.constant 0 : i32
      %dma_start3A_211 = tpu.memref_slice %arg12[%run_scoped3A_190, %dma_start3A_209, %dma_start3A_210] : memref<2x128x128xf32, #tpu.memory_space<vmem>> -> memref<1x128x128xf32, #tpu.memory_space<vmem>>
      %dma_start3A_212 = tpu.memref_squeeze %dma_start3A_211 : memref<1x128x128xf32, #tpu.memory_space<vmem>> -> memref<128x128xf32, #tpu.memory_space<vmem>>
      %dma_start3A_213 = arith.constant 0 : i32
      %dma_start3A_214 = tpu.memref_slice %arg11[%run_scoped3A_191, %dma_start3A_213] : memref<80x128xi32, #tpu.memory_space<vmem>> -> memref<1x128xi32, #tpu.memory_space<vmem>>
      %dma_start3A_215 = tpu.memref_squeeze %dma_start3A_214 : memref<1x128xi32, #tpu.memory_space<vmem>> -> memref<128xi32, #tpu.memory_space<vmem>>
      %dma_start3A_216 = arith.constant 0 : i32
      %dma_start3A_217 = arith.constant 0 : i32
      %dma_start3A_218 = tpu.memref_slice %arg15[%dma_start3A_216, %dma_start3A_217] : memref<10112x128xf32, #tpu.memory_space<vmem_shared>> -> memref<10112x128xf32, #tpu.memory_space<vmem_shared>>
      tpu.enqueue_indirect_dma source(%dma_start3A_212 : memref<128x128xf32, #tpu.memory_space<vmem>>) target(%dma_start3A_218 : memref<10112x128xf32, #tpu.memory_space<vmem_shared>>) offsets(%dma_start3A_215 : memref<128xi32, #tpu.memory_space<vmem>>) semaphore(%run_scoped3A_208 : memref<!tpu.dma_semaphore, #tpu.memory_space<semaphore_mem>>) {add = true}
      %dma_wait3A_219 = arith.constant 0 : i32
      %dma_wait3A_220 = arith.constant 0 : i32
      %dma_wait3A_221 = tpu.memref_slice %arg12[%run_scoped3A_190, %dma_wait3A_219, %dma_wait3A_220] : memref<2x128x128xf32, #tpu.memory_space<vmem>> -> memref<1x128x128xf32, #tpu.memory_space<vmem>>
      %dma_wait3A_222 = tpu.memref_squeeze %dma_wait3A_221 : memref<1x128x128xf32, #tpu.memory_space<vmem>> -> memref<128x128xf32, #tpu.memory_space<vmem>>
      %dma_wait3A_223 = arith.constant 0 : i32
      %dma_wait3A_224 = tpu.memref_slice %arg11[%run_scoped3A_191, %dma_wait3A_223] : memref<80x128xi32, #tpu.memory_space<vmem>> -> memref<1x128xi32, #tpu.memory_space<vmem>>
      %dma_wait3A_225 = tpu.memref_squeeze %dma_wait3A_224 : memref<1x128xi32, #tpu.memory_space<vmem>> -> memref<128xi32, #tpu.memory_space<vmem>>
      %dma_wait3A_226 = arith.constant 0 : i32
      %dma_wait3A_227 = arith.constant 0 : i32
      %dma_wait3A_228 = tpu.memref_slice %arg15[%dma_wait3A_226, %dma_wait3A_227] : memref<10112x128xf32, #tpu.memory_space<vmem_shared>> -> memref<10112x128xf32, #tpu.memory_space<vmem_shared>>
      tpu.wait_indirect_dma semaphore(%run_scoped3A_208 : memref<!tpu.dma_semaphore, #tpu.memory_space<semaphore_mem>>) src(%dma_wait3A_222 : memref<128x128xf32, #tpu.memory_space<vmem>>) dst(%dma_wait3A_228 : memref<10112x128xf32, #tpu.memory_space<vmem_shared>>)
      tpu.yield
    }) : () -> ()
    %eq3A_192 = arith.constant 1 : i32
    %eq3A_193 = arith.cmpi eq, %arg0, %eq3A_192 : i32
    %convert_element_type3A_194 = arith.extui %eq3A_193 : i1 to i32
    %cond3A_195 = arith.constant 0 : i32
    %cond3A_196 = arith.cmpi ne, %convert_element_type3A_194, %cond3A_195 : i32
    scf.if %cond3A_196 {
      %run_scoped3A_208 = arith.constant 79 : i32
      "tpu.region"() ({
        %run_scoped3A_209 = tpu.sem_alloc : memref<!tpu.dma_semaphore, #tpu.memory_space<semaphore_mem>>
        %dma_start3A_210 = arith.constant 0 : i32
        %dma_start3A_211 = tpu.memref_slice %arg11[%run_scoped3A_208, %dma_start3A_210] : memref<80x128xi32, #tpu.memory_space<vmem>> -> memref<1x128xi32, #tpu.memory_space<vmem>>
        %dma_start3A_212 = tpu.memref_squeeze %dma_start3A_211 : memref<1x128xi32, #tpu.memory_space<vmem>> -> memref<128xi32, #tpu.memory_space<vmem>>
        %dma_start3A_213 = arith.constant 0 : i32
        %dma_start3A_214 = tpu.memref_slice %arg16[%dma_start3A_213] : memref<10112xf32, #tpu.memory_space<vmem_shared>> -> memref<10112xf32, #tpu.memory_space<vmem_shared>>
        tpu.enqueue_indirect_dma source(%arg13 : memref<128xf32, #tpu.memory_space<vmem>>) target(%dma_start3A_214 : memref<10112xf32, #tpu.memory_space<vmem_shared>>) offsets(%dma_start3A_212 : memref<128xi32, #tpu.memory_space<vmem>>) semaphore(%run_scoped3A_209 : memref<!tpu.dma_semaphore, #tpu.memory_space<semaphore_mem>>) {add = true}
        %dma_wait3A_215 = arith.constant 0 : i32
        %dma_wait3A_216 = tpu.memref_slice %arg11[%run_scoped3A_208, %dma_wait3A_215] : memref<80x128xi32, #tpu.memory_space<vmem>> -> memref<1x128xi32, #tpu.memory_space<vmem>>
        %dma_wait3A_217 = tpu.memref_squeeze %dma_wait3A_216 : memref<1x128xi32, #tpu.memory_space<vmem>> -> memref<128xi32, #tpu.memory_space<vmem>>
        %dma_wait3A_218 = arith.constant 0 : i32
        %dma_wait3A_219 = tpu.memref_slice %arg16[%dma_wait3A_218] : memref<10112xf32, #tpu.memory_space<vmem_shared>> -> memref<10112xf32, #tpu.memory_space<vmem_shared>>
        tpu.wait_indirect_dma semaphore(%run_scoped3A_209 : memref<!tpu.dma_semaphore, #tpu.memory_space<semaphore_mem>>) src(%arg13 : memref<128xf32, #tpu.memory_space<vmem>>) dst(%dma_wait3A_219 : memref<10112xf32, #tpu.memory_space<vmem_shared>>)
        tpu.yield
      }) : () -> ()
    } else {
    }
    %barrier3A_197 = arith.constant 0 : index
    tpu.barrier barrier_id(%barrier3A_197)
    %eq3A_198 = arith.constant 0 : i32
    %eq3A_199 = arith.cmpi eq, %arg0, %eq3A_198 : i32
    %convert_element_type3A_200 = arith.extui %eq3A_199 : i1 to i32
    %cond3A_201 = arith.constant 0 : i32
    %cond3A_202 = arith.cmpi ne, %convert_element_type3A_200, %cond3A_201 : i32
    scf.if %cond3A_202 {
      %mul3A_208 = arith.constant 624 : i32
      %mul3A_209 = arith.muli %arg1, %mul3A_208 : i32
      %mul3A_210 = arith.constant 624 : i32
      %mul3A_211 = arith.muli %arg1, %mul3A_210 : i32
      "tpu.region"() ({
        %run_scoped3A_221 = tpu.sem_alloc : memref<!tpu.dma_semaphore, #tpu.memory_space<semaphore_mem>>
        %dma_start3A_222 = arith.constant 0 : i32
        %dma_start3A_223 = tpu.memref_slice %arg7[%mul3A_211, %dma_start3A_222] : memref<10000x128xf32, #tpu.memory_space<hbm>> -> memref<624x128xf32, #tpu.memory_space<hbm>>
        %dma_start3A_224 = arith.constant 0 : i32
        %dma_start3A_225 = tpu.memref_slice %arg15[%mul3A_209, %dma_start3A_224] : memref<10112x128xf32, #tpu.memory_space<vmem_shared>> -> memref<624x128xf32, #tpu.memory_space<vmem_shared>>
        tpu.enqueue_dma source(%dma_start3A_225 : memref<624x128xf32, #tpu.memory_space<vmem_shared>>) target(%dma_start3A_223 : memref<624x128xf32, #tpu.memory_space<hbm>>) target_semaphore(%run_scoped3A_221 : memref<!tpu.dma_semaphore, #tpu.memory_space<semaphore_mem>>)
        %dma_wait3A_226 = arith.constant 0 : i32
        %dma_wait3A_227 = tpu.memref_slice %arg7[%mul3A_211, %dma_wait3A_226] : memref<10000x128xf32, #tpu.memory_space<hbm>> -> memref<624x128xf32, #tpu.memory_space<hbm>>
        %dma_wait3A_228 = arith.constant 0 : i32
        %dma_wait3A_229 = tpu.memref_slice %arg15[%mul3A_209, %dma_wait3A_228] : memref<10112x128xf32, #tpu.memory_space<vmem_shared>> -> memref<624x128xf32, #tpu.memory_space<vmem_shared>>
        tpu.wait_dma2 semaphore(%run_scoped3A_221 : memref<!tpu.dma_semaphore, #tpu.memory_space<semaphore_mem>>) src(%dma_wait3A_229 : memref<624x128xf32, #tpu.memory_space<vmem_shared>>) dst(%dma_wait3A_227 : memref<624x128xf32, #tpu.memory_space<hbm>>)
        tpu.yield
      }) : () -> ()
      %eq3A_212 = arith.constant 15 : i32
      %eq3A_213 = arith.cmpi eq, %arg1, %eq3A_212 : i32
      %convert_element_type3A_214 = arith.extui %eq3A_213 : i1 to i32
      %cond3A_215 = arith.constant 0 : i32
      %cond3A_216 = arith.cmpi ne, %convert_element_type3A_214, %cond3A_215 : i32
      scf.if %cond3A_216 {
        "tpu.region"() ({
          %run_scoped3A_221 = tpu.sem_alloc : memref<!tpu.dma_semaphore, #tpu.memory_space<semaphore_mem>>
          %dma_start3A_222 = arith.constant 9984 : i32
          %dma_start3A_223 = arith.constant 0 : i32
          %dma_start3A_224 = tpu.memref_slice %arg7[%dma_start3A_222, %dma_start3A_223] : memref<10000x128xf32, #tpu.memory_space<hbm>> -> memref<16x128xf32, #tpu.memory_space<hbm>>
          %dma_start3A_225 = arith.constant 9984 : i32
          %dma_start3A_226 = arith.constant 0 : i32
          %dma_start3A_227 = tpu.memref_slice %arg15[%dma_start3A_225, %dma_start3A_226] : memref<10112x128xf32, #tpu.memory_space<vmem_shared>> -> memref<16x128xf32, #tpu.memory_space<vmem_shared>>
          tpu.enqueue_dma source(%dma_start3A_227 : memref<16x128xf32, #tpu.memory_space<vmem_shared>>) target(%dma_start3A_224 : memref<16x128xf32, #tpu.memory_space<hbm>>) target_semaphore(%run_scoped3A_221 : memref<!tpu.dma_semaphore, #tpu.memory_space<semaphore_mem>>)
          %dma_wait3A_228 = arith.constant 9984 : i32
          %dma_wait3A_229 = arith.constant 0 : i32
          %dma_wait3A_230 = tpu.memref_slice %arg7[%dma_wait3A_228, %dma_wait3A_229] : memref<10000x128xf32, #tpu.memory_space<hbm>> -> memref<16x128xf32, #tpu.memory_space<hbm>>
          %dma_wait3A_231 = arith.constant 9984 : i32
          %dma_wait3A_232 = arith.constant 0 : i32
          %dma_wait3A_233 = tpu.memref_slice %arg15[%dma_wait3A_231, %dma_wait3A_232] : memref<10112x128xf32, #tpu.memory_space<vmem_shared>> -> memref<16x128xf32, #tpu.memory_space<vmem_shared>>
          tpu.wait_dma2 semaphore(%run_scoped3A_221 : memref<!tpu.dma_semaphore, #tpu.memory_space<semaphore_mem>>) src(%dma_wait3A_233 : memref<16x128xf32, #tpu.memory_space<vmem_shared>>) dst(%dma_wait3A_230 : memref<16x128xf32, #tpu.memory_space<hbm>>)
          tpu.yield
        }) : () -> ()
      } else {
      }
      %lt3A = arith.constant 10 : i32
      %lt3A_217 = arith.cmpi slt, %arg1, %lt3A : i32
      %convert_element_type3A_218 = arith.extui %lt3A_217 : i1 to i32
      %cond3A_219 = arith.constant 0 : i32
      %cond3A_220 = arith.cmpi ne, %convert_element_type3A_218, %cond3A_219 : i32
      scf.if %cond3A_220 {
        %mul3A_221 = arith.constant 1000 : i32
        %mul3A_222 = arith.muli %arg1, %mul3A_221 : i32
        "tpu.region"() ({
          %run_scoped3A_225 = tpu.sem_alloc : memref<!tpu.dma_semaphore, #tpu.memory_space<semaphore_mem>>
          %dma_start3A_226 = tpu.memref_slice %arg16[%mul3A_222] : memref<10112xf32, #tpu.memory_space<vmem_shared>> -> memref<1000xf32, #tpu.memory_space<vmem_shared>>
          %dma_start3A_227 = tpu.memref_slice %arg16[%mul3A_222] : memref<10112xf32, #tpu.memory_space<vmem_shared>> -> memref<1000xf32, #tpu.memory_space<vmem_shared>>
          tpu.enqueue_dma source(%dma_start3A_227 : memref<1000xf32, #tpu.memory_space<vmem_shared>>) target(%arg14 : memref<1000xf32, #tpu.memory_space<vmem>>) target_semaphore(%run_scoped3A_225 : memref<!tpu.dma_semaphore, #tpu.memory_space<semaphore_mem>>)
          %dma_wait3A_228 = tpu.memref_slice %arg16[%mul3A_222] : memref<10112xf32, #tpu.memory_space<vmem_shared>> -> memref<1000xf32, #tpu.memory_space<vmem_shared>>
          %dma_wait3A_229 = tpu.memref_slice %arg16[%mul3A_222] : memref<10112xf32, #tpu.memory_space<vmem_shared>> -> memref<1000xf32, #tpu.memory_space<vmem_shared>>
          tpu.wait_dma2 semaphore(%run_scoped3A_225 : memref<!tpu.dma_semaphore, #tpu.memory_space<semaphore_mem>>) src(%dma_wait3A_229 : memref<1000xf32, #tpu.memory_space<vmem_shared>>) dst(%arg14 : memref<1000xf32, #tpu.memory_space<vmem>>)
          tpu.yield
        }) : () -> ()
        %mul3A_223 = arith.constant 1000 : i32
        %mul3A_224 = arith.muli %arg1, %mul3A_223 : i32
        "tpu.region"() ({
          %run_scoped3A_225 = tpu.sem_alloc : memref<!tpu.dma_semaphore, #tpu.memory_space<semaphore_mem>>
          %dma_start3A_226 = tpu.memref_slice %arg9[%mul3A_224] : memref<10000xf32, #tpu.memory_space<hbm>> -> memref<1000xf32, #tpu.memory_space<hbm>>
          %dma_start3A_227 = tpu.memref_slice %arg9[%mul3A_224] : memref<10000xf32, #tpu.memory_space<hbm>> -> memref<1000xf32, #tpu.memory_space<hbm>>
          tpu.enqueue_dma source(%arg14 : memref<1000xf32, #tpu.memory_space<vmem>>) target(%dma_start3A_227 : memref<1000xf32, #tpu.memory_space<hbm>>) target_semaphore(%run_scoped3A_225 : memref<!tpu.dma_semaphore, #tpu.memory_space<semaphore_mem>>)
          %dma_wait3A_228 = tpu.memref_slice %arg9[%mul3A_224] : memref<10000xf32, #tpu.memory_space<hbm>> -> memref<1000xf32, #tpu.memory_space<hbm>>
          %dma_wait3A_229 = tpu.memref_slice %arg9[%mul3A_224] : memref<10000xf32, #tpu.memory_space<hbm>> -> memref<1000xf32, #tpu.memory_space<hbm>>
          tpu.wait_dma2 semaphore(%run_scoped3A_225 : memref<!tpu.dma_semaphore, #tpu.memory_space<semaphore_mem>>) src(%arg14 : memref<1000xf32, #tpu.memory_space<vmem>>) dst(%dma_wait3A_229 : memref<1000xf32, #tpu.memory_space<hbm>>)
          tpu.yield
        }) : () -> ()
      } else {
      }
    } else {
    }
    %eq3A_203 = arith.constant 1 : i32
    %eq3A_204 = arith.cmpi eq, %arg0, %eq3A_203 : i32
    %convert_element_type3A_205 = arith.extui %eq3A_204 : i1 to i32
    %cond3A_206 = arith.constant 0 : i32
    %cond3A_207 = arith.cmpi ne, %convert_element_type3A_205, %cond3A_206 : i32
    scf.if %cond3A_207 {
      %mul3A_208 = arith.constant 624 : i32
      %mul3A_209 = arith.muli %arg1, %mul3A_208 : i32
      %mul3A_210 = arith.constant 624 : i32
      %mul3A_211 = arith.muli %arg1, %mul3A_210 : i32
      "tpu.region"() ({
        %run_scoped3A_221 = tpu.sem_alloc : memref<!tpu.dma_semaphore, #tpu.memory_space<semaphore_mem>>
        %dma_start3A_222 = arith.constant 0 : i32
        %dma_start3A_223 = tpu.memref_slice %arg8[%mul3A_211, %dma_start3A_222] : memref<10000x128xf32, #tpu.memory_space<hbm>> -> memref<624x128xf32, #tpu.memory_space<hbm>>
        %dma_start3A_224 = arith.constant 0 : i32
        %dma_start3A_225 = tpu.memref_slice %arg15[%mul3A_209, %dma_start3A_224] : memref<10112x128xf32, #tpu.memory_space<vmem_shared>> -> memref<624x128xf32, #tpu.memory_space<vmem_shared>>
        tpu.enqueue_dma source(%dma_start3A_225 : memref<624x128xf32, #tpu.memory_space<vmem_shared>>) target(%dma_start3A_223 : memref<624x128xf32, #tpu.memory_space<hbm>>) target_semaphore(%run_scoped3A_221 : memref<!tpu.dma_semaphore, #tpu.memory_space<semaphore_mem>>)
        %dma_wait3A_226 = arith.constant 0 : i32
        %dma_wait3A_227 = tpu.memref_slice %arg8[%mul3A_211, %dma_wait3A_226] : memref<10000x128xf32, #tpu.memory_space<hbm>> -> memref<624x128xf32, #tpu.memory_space<hbm>>
        %dma_wait3A_228 = arith.constant 0 : i32
        %dma_wait3A_229 = tpu.memref_slice %arg15[%mul3A_209, %dma_wait3A_228] : memref<10112x128xf32, #tpu.memory_space<vmem_shared>> -> memref<624x128xf32, #tpu.memory_space<vmem_shared>>
        tpu.wait_dma2 semaphore(%run_scoped3A_221 : memref<!tpu.dma_semaphore, #tpu.memory_space<semaphore_mem>>) src(%dma_wait3A_229 : memref<624x128xf32, #tpu.memory_space<vmem_shared>>) dst(%dma_wait3A_227 : memref<624x128xf32, #tpu.memory_space<hbm>>)
        tpu.yield
      }) : () -> ()
      %eq3A_212 = arith.constant 15 : i32
      %eq3A_213 = arith.cmpi eq, %arg1, %eq3A_212 : i32
      %convert_element_type3A_214 = arith.extui %eq3A_213 : i1 to i32
      %cond3A_215 = arith.constant 0 : i32
      %cond3A_216 = arith.cmpi ne, %convert_element_type3A_214, %cond3A_215 : i32
      scf.if %cond3A_216 {
        "tpu.region"() ({
          %run_scoped3A_221 = tpu.sem_alloc : memref<!tpu.dma_semaphore, #tpu.memory_space<semaphore_mem>>
          %dma_start3A_222 = arith.constant 9984 : i32
          %dma_start3A_223 = arith.constant 0 : i32
          %dma_start3A_224 = tpu.memref_slice %arg8[%dma_start3A_222, %dma_start3A_223] : memref<10000x128xf32, #tpu.memory_space<hbm>> -> memref<16x128xf32, #tpu.memory_space<hbm>>
          %dma_start3A_225 = arith.constant 9984 : i32
          %dma_start3A_226 = arith.constant 0 : i32
          %dma_start3A_227 = tpu.memref_slice %arg15[%dma_start3A_225, %dma_start3A_226] : memref<10112x128xf32, #tpu.memory_space<vmem_shared>> -> memref<16x128xf32, #tpu.memory_space<vmem_shared>>
          tpu.enqueue_dma source(%dma_start3A_227 : memref<16x128xf32, #tpu.memory_space<vmem_shared>>) target(%dma_start3A_224 : memref<16x128xf32, #tpu.memory_space<hbm>>) target_semaphore(%run_scoped3A_221 : memref<!tpu.dma_semaphore, #tpu.memory_space<semaphore_mem>>)
          %dma_wait3A_228 = arith.constant 9984 : i32
          %dma_wait3A_229 = arith.constant 0 : i32
          %dma_wait3A_230 = tpu.memref_slice %arg8[%dma_wait3A_228, %dma_wait3A_229] : memref<10000x128xf32, #tpu.memory_space<hbm>> -> memref<16x128xf32, #tpu.memory_space<hbm>>
          %dma_wait3A_231 = arith.constant 9984 : i32
          %dma_wait3A_232 = arith.constant 0 : i32
          %dma_wait3A_233 = tpu.memref_slice %arg15[%dma_wait3A_231, %dma_wait3A_232] : memref<10112x128xf32, #tpu.memory_space<vmem_shared>> -> memref<16x128xf32, #tpu.memory_space<vmem_shared>>
          tpu.wait_dma2 semaphore(%run_scoped3A_221 : memref<!tpu.dma_semaphore, #tpu.memory_space<semaphore_mem>>) src(%dma_wait3A_233 : memref<16x128xf32, #tpu.memory_space<vmem_shared>>) dst(%dma_wait3A_230 : memref<16x128xf32, #tpu.memory_space<hbm>>)
          tpu.yield
        }) : () -> ()
      } else {
      }
      %lt3A = arith.constant 10 : i32
      %lt3A_217 = arith.cmpi slt, %arg1, %lt3A : i32
      %convert_element_type3A_218 = arith.extui %lt3A_217 : i1 to i32
      %cond3A_219 = arith.constant 0 : i32
      %cond3A_220 = arith.cmpi ne, %convert_element_type3A_218, %cond3A_219 : i32
      scf.if %cond3A_220 {
        %mul3A_221 = arith.constant 1000 : i32
        %mul3A_222 = arith.muli %arg1, %mul3A_221 : i32
        "tpu.region"() ({
          %run_scoped3A_225 = tpu.sem_alloc : memref<!tpu.dma_semaphore, #tpu.memory_space<semaphore_mem>>
          %dma_start3A_226 = tpu.memref_slice %arg16[%mul3A_222] : memref<10112xf32, #tpu.memory_space<vmem_shared>> -> memref<1000xf32, #tpu.memory_space<vmem_shared>>
          %dma_start3A_227 = tpu.memref_slice %arg16[%mul3A_222] : memref<10112xf32, #tpu.memory_space<vmem_shared>> -> memref<1000xf32, #tpu.memory_space<vmem_shared>>
          tpu.enqueue_dma source(%dma_start3A_227 : memref<1000xf32, #tpu.memory_space<vmem_shared>>) target(%arg14 : memref<1000xf32, #tpu.memory_space<vmem>>) target_semaphore(%run_scoped3A_225 : memref<!tpu.dma_semaphore, #tpu.memory_space<semaphore_mem>>)
          %dma_wait3A_228 = tpu.memref_slice %arg16[%mul3A_222] : memref<10112xf32, #tpu.memory_space<vmem_shared>> -> memref<1000xf32, #tpu.memory_space<vmem_shared>>
          %dma_wait3A_229 = tpu.memref_slice %arg16[%mul3A_222] : memref<10112xf32, #tpu.memory_space<vmem_shared>> -> memref<1000xf32, #tpu.memory_space<vmem_shared>>
          tpu.wait_dma2 semaphore(%run_scoped3A_225 : memref<!tpu.dma_semaphore, #tpu.memory_space<semaphore_mem>>) src(%dma_wait3A_229 : memref<1000xf32, #tpu.memory_space<vmem_shared>>) dst(%arg14 : memref<1000xf32, #tpu.memory_space<vmem>>)
          tpu.yield
        }) : () -> ()
        %mul3A_223 = arith.constant 1000 : i32
        %mul3A_224 = arith.muli %arg1, %mul3A_223 : i32
        "tpu.region"() ({
          %run_scoped3A_225 = tpu.sem_alloc : memref<!tpu.dma_semaphore, #tpu.memory_space<semaphore_mem>>
          %dma_start3A_226 = tpu.memref_slice %arg10[%mul3A_224] : memref<10000xf32, #tpu.memory_space<hbm>> -> memref<1000xf32, #tpu.memory_space<hbm>>
          %dma_start3A_227 = tpu.memref_slice %arg10[%mul3A_224] : memref<10000xf32, #tpu.memory_space<hbm>> -> memref<1000xf32, #tpu.memory_space<hbm>>
          tpu.enqueue_dma source(%arg14 : memref<1000xf32, #tpu.memory_space<vmem>>) target(%dma_start3A_227 : memref<1000xf32, #tpu.memory_space<hbm>>) target_semaphore(%run_scoped3A_225 : memref<!tpu.dma_semaphore, #tpu.memory_space<semaphore_mem>>)
          %dma_wait3A_228 = tpu.memref_slice %arg10[%mul3A_224] : memref<10000xf32, #tpu.memory_space<hbm>> -> memref<1000xf32, #tpu.memory_space<hbm>>
          %dma_wait3A_229 = tpu.memref_slice %arg10[%mul3A_224] : memref<10000xf32, #tpu.memory_space<hbm>> -> memref<1000xf32, #tpu.memory_space<hbm>>
          tpu.wait_dma2 semaphore(%run_scoped3A_225 : memref<!tpu.dma_semaphore, #tpu.memory_space<semaphore_mem>>) src(%arg14 : memref<1000xf32, #tpu.memory_space<vmem>>) dst(%dma_wait3A_229 : memref<1000xf32, #tpu.memory_space<hbm>>)
          tpu.yield
        }) : () -> ()
      } else {
      }
    } else {
    }
    return
  }
}

module attributes {stable_mosaic.version = 14 : i64} {
  func.func @_tc_block(%arg0: i32, %arg1: memref<1000x256xf32, #tpu.memory_space<vmem>>, %arg2: memref<1000x128xf32, #tpu.memory_space<vmem>>, %arg3: memref<1000x128xf32, #tpu.memory_space<vmem>>, %arg4: memref<1000x1xf32, #tpu.memory_space<vmem>>, %arg5: memref<1000x1xf32, #tpu.memory_space<vmem>>, %arg6: memref<256x256xf32, #tpu.memory_space<vmem>>, %arg7: memref<256x256xf32, #tpu.memory_space<vmem>>, %arg8: memref<256x256xf32, #tpu.memory_space<vmem>>, %arg9: memref<256x256xf32, #tpu.memory_space<vmem>>, %arg10: memref<1x256xf32, #tpu.memory_space<vmem>>, %arg11: memref<1x256xf32, #tpu.memory_space<vmem>>, %arg12: memref<1x256xf32, #tpu.memory_space<vmem>>, %arg13: memref<1x256xf32, #tpu.memory_space<vmem>>, %arg14: memref<1x256xf32, #tpu.memory_space<vmem>>, %arg15: memref<1x256xf32, #tpu.memory_space<vmem>>, %arg16: memref<1x256xf32, #tpu.memory_space<vmem>>, %arg17: memref<1000x256xf32, #tpu.memory_space<vmem>>) attributes {dimension_semantics = [#tpu.dimension_semantics<arbitrary>], iteration_bounds = array<i64: 10>, scalar_prefetch = 0 : i64, scratch_operands = 0 : i64, tpu.core_type = #tpu.core_type<tc>, window_params = [{transform_indices = @transform_0, window_bounds = array<i64: 1000, 256>}, {transform_indices = @transform_1, window_bounds = array<i64: 1000, 128>}, {transform_indices = @transform_2, window_bounds = array<i64: 1000, 128>}, {transform_indices = @transform_3, window_bounds = array<i64: 1000, 1>}, {transform_indices = @transform_4, window_bounds = array<i64: 1000, 1>}, {pipeline_mode = #tpu.pipeline_mode<synchronous>, transform_indices = @transform_5, window_bounds = array<i64: 256, 256>}, {pipeline_mode = #tpu.pipeline_mode<synchronous>, transform_indices = @transform_6, window_bounds = array<i64: 256, 256>}, {pipeline_mode = #tpu.pipeline_mode<synchronous>, transform_indices = @transform_7, window_bounds = array<i64: 256, 256>}, {pipeline_mode = #tpu.pipeline_mode<synchronous>, transform_indices = @transform_8, window_bounds = array<i64: 256, 256>}, {pipeline_mode = #tpu.pipeline_mode<synchronous>, transform_indices = @transform_9, window_bounds = array<i64: 1, 256>}, {pipeline_mode = #tpu.pipeline_mode<synchronous>, transform_indices = @transform_10, window_bounds = array<i64: 1, 256>}, {pipeline_mode = #tpu.pipeline_mode<synchronous>, transform_indices = @transform_11, window_bounds = array<i64: 1, 256>}, {pipeline_mode = #tpu.pipeline_mode<synchronous>, transform_indices = @transform_12, window_bounds = array<i64: 1, 256>}, {pipeline_mode = #tpu.pipeline_mode<synchronous>, transform_indices = @transform_13, window_bounds = array<i64: 1, 256>}, {pipeline_mode = #tpu.pipeline_mode<synchronous>, transform_indices = @transform_14, window_bounds = array<i64: 1, 256>}, {pipeline_mode = #tpu.pipeline_mode<synchronous>, transform_indices = @transform_15, window_bounds = array<i64: 1, 256>}, {transform_indices = @transform_16, window_bounds = array<i64: 1000, 256>}]} {
    %get3A = arith.constant 0 : index
    %get3A_0 = arith.constant 0 : index
    %get3A_1 = vector.load %arg4[%get3A, %get3A_0] : memref<1000x1xf32, #tpu.memory_space<vmem>>, vector<1000x1xf32>
    %get3A_2 = arith.constant 0 : index
    %get3A_3 = arith.constant 0 : index
    %get3A_4 = vector.load %arg5[%get3A_2, %get3A_3] : memref<1000x1xf32, #tpu.memory_space<vmem>>, vector<1000x1xf32>
    %add3A = arith.addf %get3A_1, %get3A_4 : vector<1000x1xf32>
    %max3A = arith.constant 1.000000e+00 : f32
    %max3A_5 = vector.broadcast %max3A : f32 to vector<1000x1xf32>
    %max3A_6 = arith.maximumf %add3A, %max3A_5 : vector<1000x1xf32>
    %div3A = arith.constant 1.000000e+00 : f32
    %div3A_7 = vector.broadcast %div3A : f32 to vector<1000x1xf32>
    %div3A_8 = arith.divf %div3A_7, %max3A_6 : vector<1000x1xf32>
    %get3A_9 = arith.constant 0 : index
    %get3A_10 = arith.constant 0 : index
    %get3A_11 = vector.load %arg1[%get3A_9, %get3A_10] : memref<1000x256xf32, #tpu.memory_space<vmem>>, vector<1000x256xf32>
    %get3A_12 = arith.constant 0 : index
    %get3A_13 = arith.constant 0 : index
    %get3A_14 = vector.load %arg2[%get3A_12, %get3A_13] : memref<1000x128xf32, #tpu.memory_space<vmem>>, vector<1000x128xf32>
    %mul3A = vector.broadcast %div3A_8 : vector<1000x1xf32> to vector<1000x128xf32>
    %mul3A_15 = arith.mulf %get3A_14, %mul3A : vector<1000x128xf32>
    %get3A_16 = arith.constant 0 : index
    %get3A_17 = arith.constant 0 : index
    %get3A_18 = vector.load %arg6[%get3A_16, %get3A_17] : memref<256x256xf32, #tpu.memory_space<vmem>>, vector<128x256xf32>
    %dot_general3A = arith.constant dense<0.000000e+00> : vector<1000x256xf32>
    %dot_general3A_19 = tpu.matmul %mul3A_15, %get3A_18, %dot_general3A {dimension_numbers = #tpu.dot_dimension_numbers<[1], [0], [0], [1], [0, 0, 1, 1], [], []>, transpose_lhs_hint = false} : vector<1000x128xf32>, vector<128x256xf32>, vector<1000x256xf32> -> vector<1000x256xf32>
    %get3A_20 = arith.constant 0 : index
    %get3A_21 = arith.constant 0 : index
    %get3A_22 = vector.load %arg3[%get3A_20, %get3A_21] : memref<1000x128xf32, #tpu.memory_space<vmem>>, vector<1000x128xf32>
    %mul3A_23 = vector.broadcast %div3A_8 : vector<1000x1xf32> to vector<1000x128xf32>
    %mul3A_24 = arith.mulf %get3A_22, %mul3A_23 : vector<1000x128xf32>
    %get3A_25 = arith.constant 128 : index
    %get3A_26 = arith.constant 0 : index
    %get3A_27 = vector.load %arg6[%get3A_25, %get3A_26] : memref<256x256xf32, #tpu.memory_space<vmem>>, vector<128x256xf32>
    %dot_general3A_28 = arith.constant dense<0.000000e+00> : vector<1000x256xf32>
    %dot_general3A_29 = tpu.matmul %mul3A_24, %get3A_27, %dot_general3A_28 {dimension_numbers = #tpu.dot_dimension_numbers<[1], [0], [0], [1], [0, 0, 1, 1], [], []>, transpose_lhs_hint = false} : vector<1000x128xf32>, vector<128x256xf32>, vector<1000x256xf32> -> vector<1000x256xf32>
    %add3A_30 = arith.addf %dot_general3A_19, %dot_general3A_29 : vector<1000x256xf32>
    %get3A_31 = arith.constant 0 : index
    %get3A_32 = arith.constant 0 : index
    %get3A_33 = vector.load %arg7[%get3A_31, %get3A_32] : memref<256x256xf32, #tpu.memory_space<vmem>>, vector<256x256xf32>
    %dot_general3A_34 = arith.constant dense<0.000000e+00> : vector<1000x256xf32>
    %dot_general3A_35 = tpu.matmul %get3A_11, %get3A_33, %dot_general3A_34 {dimension_numbers = #tpu.dot_dimension_numbers<[1], [0], [0], [1], [0, 0, 1, 1], [], []>, transpose_lhs_hint = false} : vector<1000x256xf32>, vector<256x256xf32>, vector<1000x256xf32> -> vector<1000x256xf32>
    %add3A_36 = arith.addf %add3A_30, %dot_general3A_35 : vector<1000x256xf32>
    %get3A_37 = arith.constant 0 : index
    %get3A_38 = arith.constant 0 : index
    %get3A_39 = vector.load %arg10[%get3A_37, %get3A_38] : memref<1x256xf32, #tpu.memory_space<vmem>>, vector<1x256xf32>
    %add3A_40 = vector.broadcast %get3A_39 : vector<1x256xf32> to vector<1000x256xf32>
    %add3A_41 = arith.addf %add3A_36, %add3A_40 : vector<1000x256xf32>
    %add3A_42 = arith.addf %add3A_41, %get3A_11 : vector<1000x256xf32>
    %reduce_sum3A = arith.constant dense<0.000000e+00> : vector<1000xf32>
    %reduce_sum3A_43 = vector.multi_reduction <add>, %add3A_42, %reduce_sum3A [1] : vector<1000x256xf32> to vector<1000xf32>
    %broadcast_in_dim3A = vector.shape_cast %reduce_sum3A_43 : vector<1000xf32> to vector<1000x1xf32>
    %div3A_44 = arith.constant 2.560000e+02 : f32
    %div3A_45 = vector.broadcast %div3A_44 : f32 to vector<1000x1xf32>
    %div3A_46 = arith.divf %broadcast_in_dim3A, %div3A_45 : vector<1000x1xf32>
    %sub3A = vector.broadcast %div3A_46 : vector<1000x1xf32> to vector<1000x256xf32>
    %sub3A_47 = arith.subf %add3A_42, %sub3A : vector<1000x256xf32>
    %mul3A_48 = arith.mulf %sub3A_47, %sub3A_47 : vector<1000x256xf32>
    %reduce_sum3A_49 = arith.constant dense<0.000000e+00> : vector<1000xf32>
    %reduce_sum3A_50 = vector.multi_reduction <add>, %mul3A_48, %reduce_sum3A_49 [1] : vector<1000x256xf32> to vector<1000xf32>
    %broadcast_in_dim3A_51 = vector.shape_cast %reduce_sum3A_50 : vector<1000xf32> to vector<1000x1xf32>
    %div3A_52 = arith.constant 2.560000e+02 : f32
    %div3A_53 = vector.broadcast %div3A_52 : f32 to vector<1000x1xf32>
    %div3A_54 = arith.divf %broadcast_in_dim3A_51, %div3A_53 : vector<1000x1xf32>
    %add3A_55 = arith.constant 9.99999974E-6 : f32
    %add3A_56 = vector.broadcast %add3A_55 : f32 to vector<1000x1xf32>
    %add3A_57 = arith.addf %div3A_54, %add3A_56 : vector<1000x1xf32>
    %rsqrt3A = math.rsqrt %add3A_57 : vector<1000x1xf32>
    %mul3A_58 = vector.broadcast %rsqrt3A : vector<1000x1xf32> to vector<1000x256xf32>
    %mul3A_59 = arith.mulf %sub3A_47, %mul3A_58 : vector<1000x256xf32>
    %get3A_60 = arith.constant 0 : index
    %get3A_61 = arith.constant 0 : index
    %get3A_62 = vector.load %arg13[%get3A_60, %get3A_61] : memref<1x256xf32, #tpu.memory_space<vmem>>, vector<1x256xf32>
    %mul3A_63 = vector.broadcast %get3A_62 : vector<1x256xf32> to vector<1000x256xf32>
    %mul3A_64 = arith.mulf %mul3A_59, %mul3A_63 : vector<1000x256xf32>
    %get3A_65 = arith.constant 0 : index
    %get3A_66 = arith.constant 0 : index
    %get3A_67 = vector.load %arg14[%get3A_65, %get3A_66] : memref<1x256xf32, #tpu.memory_space<vmem>>, vector<1x256xf32>
    %add3A_68 = vector.broadcast %get3A_67 : vector<1x256xf32> to vector<1000x256xf32>
    %add3A_69 = arith.addf %mul3A_64, %add3A_68 : vector<1000x256xf32>
    %get3A_70 = arith.constant 0 : index
    %get3A_71 = arith.constant 0 : index
    %get3A_72 = vector.load %arg8[%get3A_70, %get3A_71] : memref<256x256xf32, #tpu.memory_space<vmem>>, vector<256x256xf32>
    %dot_general3A_73 = arith.constant dense<0.000000e+00> : vector<1000x256xf32>
    %dot_general3A_74 = tpu.matmul %add3A_69, %get3A_72, %dot_general3A_73 {dimension_numbers = #tpu.dot_dimension_numbers<[1], [0], [0], [1], [0, 0, 1, 1], [], []>, transpose_lhs_hint = false} : vector<1000x256xf32>, vector<256x256xf32>, vector<1000x256xf32> -> vector<1000x256xf32>
    %get3A_75 = arith.constant 0 : index
    %get3A_76 = arith.constant 0 : index
    %get3A_77 = vector.load %arg11[%get3A_75, %get3A_76] : memref<1x256xf32, #tpu.memory_space<vmem>>, vector<1x256xf32>
    %add3A_78 = vector.broadcast %get3A_77 : vector<1x256xf32> to vector<1000x256xf32>
    %add3A_79 = arith.addf %dot_general3A_74, %add3A_78 : vector<1000x256xf32>
    %gt3A = arith.constant 0.000000e+00 : f32
    %gt3A_80 = vector.broadcast %gt3A : f32 to vector<1000x256xf32>
    %gt3A_81 = arith.cmpf ogt, %add3A_79, %gt3A_80 : vector<1000x256xf32>
    %min3A = arith.constant 0.000000e+00 : f32
    %min3A_82 = vector.broadcast %min3A : f32 to vector<1000x256xf32>
    %min3A_83 = arith.minimumf %add3A_79, %min3A_82 : vector<1000x256xf32>
    %exp3A = math.exp %min3A_83 : vector<1000x256xf32>
    %sub3A_84 = arith.constant 1.000000e+00 : f32
    %sub3A_85 = vector.broadcast %sub3A_84 : f32 to vector<1000x256xf32>
    %sub3A_86 = arith.subf %exp3A, %sub3A_85 : vector<1000x256xf32>
    %select_n3A = arith.select %gt3A_81, %add3A_79, %sub3A_86 : vector<1000x256xi1>, vector<1000x256xf32>
    %get3A_87 = arith.constant 0 : index
    %get3A_88 = arith.constant 0 : index
    %get3A_89 = vector.load %arg9[%get3A_87, %get3A_88] : memref<256x256xf32, #tpu.memory_space<vmem>>, vector<256x256xf32>
    %dot_general3A_90 = arith.constant dense<0.000000e+00> : vector<1000x256xf32>
    %dot_general3A_91 = tpu.matmul %select_n3A, %get3A_89, %dot_general3A_90 {dimension_numbers = #tpu.dot_dimension_numbers<[1], [0], [0], [1], [0, 0, 1, 1], [], []>, transpose_lhs_hint = false} : vector<1000x256xf32>, vector<256x256xf32>, vector<1000x256xf32> -> vector<1000x256xf32>
    %get3A_92 = arith.constant 0 : index
    %get3A_93 = arith.constant 0 : index
    %get3A_94 = vector.load %arg12[%get3A_92, %get3A_93] : memref<1x256xf32, #tpu.memory_space<vmem>>, vector<1x256xf32>
    %add3A_95 = vector.broadcast %get3A_94 : vector<1x256xf32> to vector<1000x256xf32>
    %add3A_96 = arith.addf %dot_general3A_91, %add3A_95 : vector<1000x256xf32>
    %add3A_97 = arith.addf %add3A_96, %add3A_69 : vector<1000x256xf32>
    %reduce_sum3A_98 = arith.constant dense<0.000000e+00> : vector<1000xf32>
    %reduce_sum3A_99 = vector.multi_reduction <add>, %add3A_97, %reduce_sum3A_98 [1] : vector<1000x256xf32> to vector<1000xf32>
    %broadcast_in_dim3A_100 = vector.shape_cast %reduce_sum3A_99 : vector<1000xf32> to vector<1000x1xf32>
    %div3A_101 = arith.constant 2.560000e+02 : f32
    %div3A_102 = vector.broadcast %div3A_101 : f32 to vector<1000x1xf32>
    %div3A_103 = arith.divf %broadcast_in_dim3A_100, %div3A_102 : vector<1000x1xf32>
    %sub3A_104 = vector.broadcast %div3A_103 : vector<1000x1xf32> to vector<1000x256xf32>
    %sub3A_105 = arith.subf %add3A_97, %sub3A_104 : vector<1000x256xf32>
    %mul3A_106 = arith.mulf %sub3A_105, %sub3A_105 : vector<1000x256xf32>
    %reduce_sum3A_107 = arith.constant dense<0.000000e+00> : vector<1000xf32>
    %reduce_sum3A_108 = vector.multi_reduction <add>, %mul3A_106, %reduce_sum3A_107 [1] : vector<1000x256xf32> to vector<1000xf32>
    %broadcast_in_dim3A_109 = vector.shape_cast %reduce_sum3A_108 : vector<1000xf32> to vector<1000x1xf32>
    %div3A_110 = arith.constant 2.560000e+02 : f32
    %div3A_111 = vector.broadcast %div3A_110 : f32 to vector<1000x1xf32>
    %div3A_112 = arith.divf %broadcast_in_dim3A_109, %div3A_111 : vector<1000x1xf32>
    %add3A_113 = arith.constant 9.99999974E-6 : f32
    %add3A_114 = vector.broadcast %add3A_113 : f32 to vector<1000x1xf32>
    %add3A_115 = arith.addf %div3A_112, %add3A_114 : vector<1000x1xf32>
    %rsqrt3A_116 = math.rsqrt %add3A_115 : vector<1000x1xf32>
    %mul3A_117 = vector.broadcast %rsqrt3A_116 : vector<1000x1xf32> to vector<1000x256xf32>
    %mul3A_118 = arith.mulf %sub3A_105, %mul3A_117 : vector<1000x256xf32>
    %get3A_119 = arith.constant 0 : index
    %get3A_120 = arith.constant 0 : index
    %get3A_121 = vector.load %arg15[%get3A_119, %get3A_120] : memref<1x256xf32, #tpu.memory_space<vmem>>, vector<1x256xf32>
    %mul3A_122 = vector.broadcast %get3A_121 : vector<1x256xf32> to vector<1000x256xf32>
    %mul3A_123 = arith.mulf %mul3A_118, %mul3A_122 : vector<1000x256xf32>
    %get3A_124 = arith.constant 0 : index
    %get3A_125 = arith.constant 0 : index
    %get3A_126 = vector.load %arg16[%get3A_124, %get3A_125] : memref<1x256xf32, #tpu.memory_space<vmem>>, vector<1x256xf32>
    %add3A_127 = vector.broadcast %get3A_126 : vector<1x256xf32> to vector<1000x256xf32>
    %add3A_128 = arith.addf %mul3A_123, %add3A_127 : vector<1000x256xf32>
    %swap3A = arith.constant 0 : index
    %swap3A_129 = arith.constant 0 : index
    %swap3A_130 = vector.load %arg17[%swap3A, %swap3A_129] : memref<1000x256xf32, #tpu.memory_space<vmem>>, vector<1000x256xf32>
    tpu.vector_store %arg17[%swap3A, %swap3A_129], %add3A_128 {strides = array<i32>} : memref<1000x256xf32, #tpu.memory_space<vmem>>, vector<1000x256xf32>,
    return
  }
  func.func @transform_0(%arg0: i32) -> (i32, i32) {
    %c0_i32 = arith.constant 0 : i32
    %c0_i32_0 = arith.constant 0 : i32
    return %arg0, %c0_i32 : i32, i32
  }
  func.func @transform_1(%arg0: i32) -> (i32, i32) {
    %c0_i32 = arith.constant 0 : i32
    %c0_i32_0 = arith.constant 0 : i32
    return %arg0, %c0_i32 : i32, i32
  }
  func.func @transform_2(%arg0: i32) -> (i32, i32) {
    %c0_i32 = arith.constant 0 : i32
    %c0_i32_0 = arith.constant 0 : i32
    return %arg0, %c0_i32 : i32, i32
  }
  func.func @transform_3(%arg0: i32) -> (i32, i32) {
    %c0_i32 = arith.constant 0 : i32
    %c0_i32_0 = arith.constant 0 : i32
    return %arg0, %c0_i32 : i32, i32
  }
  func.func @transform_4(%arg0: i32) -> (i32, i32) {
    %c0_i32 = arith.constant 0 : i32
    %c0_i32_0 = arith.constant 0 : i32
    return %arg0, %c0_i32 : i32, i32
  }
  func.func @transform_5(%arg0: i32) -> (i32, i32) {
    %c0_i32 = arith.constant 0 : i32
    %c0_i32_0 = arith.constant 0 : i32
    %c0_i32_1 = arith.constant 0 : i32
    return %c0_i32, %c0_i32_0 : i32, i32
  }
  func.func @transform_6(%arg0: i32) -> (i32, i32) {
    %c0_i32 = arith.constant 0 : i32
    %c0_i32_0 = arith.constant 0 : i32
    %c0_i32_1 = arith.constant 0 : i32
    return %c0_i32, %c0_i32_0 : i32, i32
  }
  func.func @transform_7(%arg0: i32) -> (i32, i32) {
    %c0_i32 = arith.constant 0 : i32
    %c0_i32_0 = arith.constant 0 : i32
    %c0_i32_1 = arith.constant 0 : i32
    return %c0_i32, %c0_i32_0 : i32, i32
  }
  func.func @transform_8(%arg0: i32) -> (i32, i32) {
    %c0_i32 = arith.constant 0 : i32
    %c0_i32_0 = arith.constant 0 : i32
    %c0_i32_1 = arith.constant 0 : i32
    return %c0_i32, %c0_i32_0 : i32, i32
  }
  func.func @transform_9(%arg0: i32) -> (i32, i32) {
    %c0_i32 = arith.constant 0 : i32
    %c0_i32_0 = arith.constant 0 : i32
    %c0_i32_1 = arith.constant 0 : i32
    return %c0_i32, %c0_i32_0 : i32, i32
  }
  func.func @transform_10(%arg0: i32) -> (i32, i32) {
    %c0_i32 = arith.constant 0 : i32
    %c0_i32_0 = arith.constant 0 : i32
    %c0_i32_1 = arith.constant 0 : i32
    return %c0_i32, %c0_i32_0 : i32, i32
  }
  func.func @transform_11(%arg0: i32) -> (i32, i32) {
    %c0_i32 = arith.constant 0 : i32
    %c0_i32_0 = arith.constant 0 : i32
    %c0_i32_1 = arith.constant 0 : i32
    return %c0_i32, %c0_i32_0 : i32, i32
  }
  func.func @transform_12(%arg0: i32) -> (i32, i32) {
    %c0_i32 = arith.constant 0 : i32
    %c0_i32_0 = arith.constant 0 : i32
    %c0_i32_1 = arith.constant 0 : i32
    return %c0_i32, %c0_i32_0 : i32, i32
  }
  func.func @transform_13(%arg0: i32) -> (i32, i32) {
    %c0_i32 = arith.constant 0 : i32
    %c0_i32_0 = arith.constant 0 : i32
    %c0_i32_1 = arith.constant 0 : i32
    return %c0_i32, %c0_i32_0 : i32, i32
  }
  func.func @transform_14(%arg0: i32) -> (i32, i32) {
    %c0_i32 = arith.constant 0 : i32
    %c0_i32_0 = arith.constant 0 : i32
    %c0_i32_1 = arith.constant 0 : i32
    return %c0_i32, %c0_i32_0 : i32, i32
  }
  func.func @transform_15(%arg0: i32) -> (i32, i32) {
    %c0_i32 = arith.constant 0 : i32
    %c0_i32_0 = arith.constant 0 : i32
    %c0_i32_1 = arith.constant 0 : i32
    return %c0_i32, %c0_i32_0 : i32, i32
  }
  func.func @transform_16(%arg0: i32) -> (i32, i32) {
    %c0_i32 = arith.constant 0 : i32
    %c0_i32_0 = arith.constant 0 : i32
    return %arg0, %c0_i32 : i32, i32
  }
}

</mosaic_0001>

<sc_bundles>
// kernel: kernel.4.cloned.1.call-start
scs
__scs_entry_jumppad:
0x0: {  	(pc) =	sbr.rel $0x88, $3  }
0x1: {  	(tag) =	ssettag $0x0;
	lr =	simm.s32 $0x1  }
0x2: {  	[smem:$0x3F94] =	sst lr;
	_ =	strace $0xD0000000  }
0x3: {  	_ = 	snop  }
0x4: {  	_ = 	snop  }
0x5: {  	_ = 	snop  }
0x6: {  	_ = 	snop  }
0x7: {  	_ = 	snop  }
__scs_overlays_trampoline_lowered:
0x8: {  	[smem:$0x3FA3] =	sst s0  }
0x9: {  	[smem:$0x3FA4] =	sst s1  }
0xa: {  	[smem:$0x3FA5] =	sst s2  }
0xb: {  	[smem:$0x3FA6] =	sst s3  }
0xc: {  	[smem:$0x3FA7] =	sst s4  }
0xd: {  	[smem:$0x3FA8] =	sst s5  }
0xe: {  	[smem:$0x3FA9] =	sst s6  }
0xf: {  	[smem:$0x3FAA] =	sst s7  }
0x10: {  	[smem:$0x3FAB] =	sst s8  }
0x11: {  	[smem:$0x3FAC] =	sst s9;
	s0 =	simm.s32 @!p0 $0x0  }
0x12: {  	s1 =	sld [smem:$0x3F92];
	s0 =	simm.s32 @p0 $0x1  }
0x13: {  	[smem:$0x3FAD] =	sst s0;
	s0 =	simm.s32 @!p1 $0x0  }
0x14: {  	s2 =	sld [smem:$0x3F91];
	s0 =	simm.s32 @p1 $0x1  }
0x15: {  	[smem:$0x3FAE] =	sst s0;
	s0 =	simm.s32 @!p2 $0x0  }
0x16: {  	s3 =	sld [smem:$0x3FDB];
	s0 =	simm.s32 @p2 $0x1  }
0x17: {  	s4 =	simm.s32 $0x1BF5;
	[smem:$0x3FB0] =	sst s0  }
0x18: {  	s0 =	sld [smem:$0x3F93];
	_ =	swait.ge [sflag:s4], $0x0  }
0x19: {  	s7 =	sld [smem:$0x3F94]  }
0x1a: {  	s8 =	sadd.s32 $0xFFFFE003, lr  }
0x1b: {  	s9 =	sadd.s32 $0xFFFFFEF7, lr;
	s5 =	simm.s32 $0xFFFFFFFF;
	p2 =	slt.u32 s8, $0xFFFFF086  }
0x1c: {  	p1 =	slt.u32 s9, $0xF7A;
	s5 =	simm.s32 @!p2 $0x0  }
0x1d: {  	s5 =	simm.s32 @p1 $0x1;
	p0 =	seq.s32 s7, s2  }
0x1e: {  	s7 =	smul.u32 @!p0 $0xF7A, s2;
	p2 =	seq.s32 @!p0 s5, $0x0  }
0x1f: {  	s9 =	smul.u32 $0xF7A, s1;
	s8 =	simm.s32 @!p0 $0x1BF5;
	p2 =	por !p2, p0  }
0x20: {  	[sflag:s8] =	ssyncset.s32 @!p0 $0xFFFFF086;
	s6 =	sadd.s32 @!p0 s3, s7;
	s7 =	simm.s32 @!p0 $0x108  }
0x21: {  	s3 =	sadd.s32 s3, s9;
	s6 =	sadd.s32 @!p0 $0x88, s6;
	s7 =	simm.s32 @p2 $0x1082  }
0x22: {  	[simem:s7], [sflag:s8] =	dma.local @!p0 [hbm:s6], $0xF7A  }
0x23: {  	s9 =	sor.u32 $0xD0000000, s2;
	s6 =	simm.s32 $0x108;
	_ =	swait.ge @!p0 [sflag:s8], $0x0  }
0x24: {  	s3 =	sadd.s32 $0x88, s3;
	s6 =	simm.s32 @!p1 $0x1082;
	[sflag:s4] =	ssyncset.s32 $0xFFFFF086  }
0x25: {  	[simem:s6], [sflag:s4] =	dma.local [hbm:s3], $0xF7A  }
0x26: {  	[smem:$0x3F94] =	sst s1;
	(tag) =	ssettag s2;
	_ =	strace s9  }
0x27: {  	s1 =	sld [smem:$0x3FA4]  }
0x28: {  	s2 =	sld [smem:$0x3FA5]  }
0x29: {  	s4 =	sld [smem:$0x3FA7]  }
0x2a: {  	p0 =	seq.s32 s5, $0x0;
	s5 =	sld [smem:$0x3FA8]  }
0x2b: {  	s6 =	sld [smem:$0x3FA9]  }
0x2c: {  	s7 =	sld [smem:$0x3FAA]  }
0x2d: {  	s3 =	simm.s32 $0x108;
	s8 =	sld [smem:$0x3FAB]  }
0x2e: {  	s3 =	simm.s32 @!p0 $0x1082;
	s9 =	sld [smem:$0x3FAC]  }
0x2f: {  	lr =	sadd.s32 s0, s3;
	s0 =	sld [smem:$0x3FA3]  }
0x30: {  	s3 =	sld [smem:$0x3FA6]  }
0x31: {  	[smem:$0x3FAF] =	sst s10  }
0x32: {  	s10 =	sld [smem:$0x3FAD];
	_ =	sdelay $0x3  }
0x33: {  	p0 =	seq.s32 s10, $0x1;
	s10 =	sld [smem:$0x3FAF];
	_ =	sdelay $0x3  }
0x34: {  	[smem:$0x3FAF] =	sst s10  }
0x35: {  	s10 =	sld [smem:$0x3FAE];
	_ =	sdelay $0x3  }
0x36: {  	p1 =	seq.s32 s10, $0x1;
	s10 =	sld [smem:$0x3FAF];
	_ =	sdelay $0x3  }
0x37: {  	[smem:$0x3FAF] =	sst s10  }
0x38: {  	s10 =	sld [smem:$0x3FB0]  }
0x39: {  	_ = 	snop;
	(pc) =	sbr.ind lr, $3  }
0x3a: {  	_ = 	snop  }
0x3b: {  	_ = 	snop  }
0x3c: {  	p2 =	seq.s32 s10, $0x1;
	s10 =	sld [smem:$0x3FAF]  }
0x3d: {  	_ =	shalt  }
0x3e: {  	_ =	shalt  }
0x3f: {  	_ =	shalt  }
0x40: {  	_ =	shalt  }
0x41: {  	_ =	shalt  }
0x42: {  	_ =	shalt  }
0x43: {  	_ =	shalt  }
0x44: {  	_ =	shalt  }
0x45: {  	_ =	shalt  }
0x46: {  	_ =	shalt  }
0x47: {  	_ =	shalt  }
0x48: {  	_ =	shalt  }
0x49: {  	_ =	shalt  }
0x4a: {  	_ =	shalt  }
0x4b: {  	_ =	shalt  }
0x4c: {  	_ =	shalt  }
0x4d: {  	_ =	shalt  }
0x4e: {  	_ =	shalt  }
0x4f: {  	_ =	shalt  }
0x50: {  	_ =	shalt  }
0x51: {  	_ =	shalt  }
0x52: {  	_ =	shalt  }
0x53: {  	_ =	shalt  }
0x54: {  	_ =	shalt  }
0x55: {  	_ =	shalt  }
0x56: {  	_ =	shalt  }
0x57: {  	_ =	shalt  }
0x58: {  	_ =	shalt  }
0x59: {  	_ =	shalt  }
0x5a: {  	_ =	shalt  }
0x5b: {  	_ =	shalt  }
0x5c: {  	_ =	shalt  }
0x5d: {  	_ =	shalt  }
0x5e: {  	_ =	shalt  }
0x5f: {  	_ =	shalt  }
0x60: {  	_ =	shalt  }
0x61: {  	_ =	shalt  }
0x62: {  	_ =	shalt  }
0x63: {  	_ =	shalt  }
0x64: {  	_ =	shalt  }
0x65: {  	_ =	shalt  }
0x66: {  	_ =	shalt  }
0x67: {  	_ =	shalt  }
0x68: {  	_ =	shalt  }
0x69: {  	_ =	shalt  }
0x6a: {  	_ =	shalt  }
0x6b: {  	_ =	shalt  }
0x6c: {  	_ =	shalt  }
0x6d: {  	_ =	shalt  }
0x6e: {  	_ =	shalt  }
0x6f: {  	_ =	shalt  }
0x70: {  	_ =	shalt  }
0x71: {  	_ =	shalt  }
0x72: {  	_ =	shalt  }
0x73: {  	_ =	shalt  }
0x74: {  	_ =	shalt  }
0x75: {  	_ =	shalt  }
0x76: {  	_ =	shalt  }
0x77: {  	_ =	shalt  }
0x78: {  	_ =	shalt  }
0x79: {  	_ =	shalt  }
0x7a: {  	_ =	shalt  }
0x7b: {  	_ =	shalt  }
0x7c: {  	_ =	shalt  }
0x7d: {  	_ =	shalt  }
0x7e: {  	_ =	shalt  }
0x7f: {  	_ =	shalt  }
0x80: {  	_ =	shalt  }
0x81: {  	_ =	shalt  }
0x82: {  	_ =	shalt  }
0x83: {  	_ =	shalt  }
0x84: {  	_ =	shalt  }
0x85: {  	_ =	shalt  }
0x86: {  	_ =	shalt  }
0x87: {  	_ =	shalt  }
.Lfunc_end0:
.L_simem_size_0:
called_computation_lowered:
.L_overlay_start_0:
0x88: {  	s2 =	sld [smem:$0x3FD9]  }
0x89: {  	s3 =	sld [smem:$0x3FFE];
	_ =	sdelay $0x1  }
0x8a: {  	s1 =	srdreg.scid  }
0x8b: {  	s0 =	sand.u32 $0x1, s1  }
0x8c: {  	s17 =	sshll.u32 s0, $0xA;
	s2 =	sadd.s32 s3, s2  }
0x8d: {  	s2 =	sadd.s32 s2, s17  }
0x8e: {  	[smem:$0x3FBB] =	sst s2  }
0x8f: {  	_ = 	snop  }
0x90: {  	s2 =	sld [smem:$0x3FD0];
	(tm) =	ssettm $0x1  }
0x91: {  	s18 =	sld [smem:$0x3FFB];
	_ =	sdelay $0x3  }
0x92: {  	_ =	strace s18  }
0x93: {  	s3 =	sld [smem:$0x3FFC];
	_ =	sdelay $0x3  }
0x94: {  	_ =	strace s3  }
0x95: {  	s3 =	sld [smem:$0x3FFD];
	_ =	sdelay $0x3  }
0x96: {  	_ =	strace s3  }
0x97: {  	_ =	strace $0x8FFFFFFF  }
0x98: {  	s19 =	sld [smem:$0x3FDB];
	_ =	sdelay $0x1  }
0x99: {  	s4 =	simm.s32 $_scs_section_size  }
0x9a: {  	s5 =	simm.s32 $_size__tile_overlayer_lowered;
	s6 =	simm.s32 $_tile_overlayer_lowered  }
0x9b: {  	s22 =	simm.s32 $0x1BFF;
	s21 =	sshll.u32 s6, $0x1;
	s3 =	sadd.s32 s4, s19  }
0x9c: {  	s7 =	simm.s32 $0x0;
	s20 =	sshll.u32 s5, $0x1;
	s5 =	sadd.s32 s21, s3  }
0x9d: {  	[timem:s7], [sflag:s22] =	dma.local [hbm:s5], s20  }
0x9e: {  	_ =	swait.ge [sflag:s22], s20  }
0x9f: {  	s4 =	ssub.s32 $0x0, s20;
	[sflag:s22] =	ssyncset.done $0x0  }
0xa0: {  	[sflag:s22] =	ssyncadd.s32 s4;
	_ =	sdelay $0x1  }
0xa1: {  	s23 =	simm.s32 $0x1B8B  }
0xa2: {  	_ =	swait.ge [sflag:s23], $0x1  }
0xa3: {  	[sflag:s23] =	ssyncset.done $0x0  }
0xa4: {  	s25 =	simm.s32 $0x1B8E;
	s24 =	sld [smem:$0x3FFE];
	[sflag:s23] =	ssyncadd.s32 $0xFFFFFFFF  }
0xa5: {  	s26 =	simm.s32 $execute0_lowered;
	[smem:$0x3FD2] =	sst s25  }
0xa6: {  	s5 =	sshll.u32 s26, $0x1;
	_ =	strace $0x80000046;
	[dreg:$0x1] =	wrdreg $0xFFFFFFFF  }
0xa7: {  	s28 =	simm.s32 $_size_execute0_lowered;
	s3 =	sadd.s32 s3, s5;
	[dreg:$0x0] =	wrdreg $0x0  }
0xa8: {  	s5 =	sshll.u32 s28, $0x1;
	[dreg:$0x2] =	wrdreg s3  }
0xa9: {  	[dreg:$0x3] =	wrdreg s5  }
0xaa: {  	[dreg:$0x4] =	wrdreg $0xC0  }
0xab: {  	_ =	task [dreg:s7], $0x5FFFF  }
0xac: {  	[dreg:$0x1] =	wrdreg $0xFFFFFFFF  }
0xad: {  	[dreg:$0x0] =	wrdreg $0x60  }
0xae: {  	[dreg:$0x2] =	wrdreg s2  }
0xaf: {  	[dreg:$0x3] =	wrdreg s24  }
0xb0: {  	[dreg:$0x4] =	wrdreg $0xAC800  }
0xb1: {  	[dreg:$0x5] =	wrdreg $0x1E8800  }
0xb2: {  	[dreg:$0x6] =	wrdreg $0x9  }
0xb3: {  	_ =	task.clear_ibuf [dreg:s7], $0x7FFFF;
	_ =	strace $0x90000046  }
0xb4: {  	s29 =	simm.s32 $0x9;
	_ =	strace $0x80000048  }
0xb5: {  	_ =	swait.ge [sflag:s29], $0x1  }
0xb6: {  	[sflag:s29] =	ssyncadd.s32 $0xFFFFFFFF  }
0xb7: {  	_ =	strace $0x90000048  }
0xb8: {  	_ =	sfence  }
0xb9: {  	s30 =	sld [smem:$0x0];
	_ =	sdelay $0x2  }
0xba: {  	s31 =	sshll.u32 s1, $0xD;
	s1 =	sshrl.u32 s1, $0x2  }
0xbb: {  	s3 =	sand.u32 $0x4000, s31;
	s1 =	sadd.s32 s1, s30  }
0xbc: {  	s0 =	sor.u32 s3, s0;
	s1 =	sshll.u32 s1, $0x11  }
0xbd: {  	s0 =	sor.u32 s1, s0  }
0xbe: {  	s0 =	sadd.s32 $0x8F2B, s0  }
0xbf: {  	[sflag:s0] =	ssyncadd.remote.s32 $0x1  }
0xc0: {  	_ =	sfence.sel $0xFFFF  }
0xc1: {  	[dreg:$0x0] =	wrdreg $0xFFFFFFFF;
	(pc) =	sbr.abs _section_cstart, $3  }
0xc2: {  	[dreg:$0x1] =	wrdreg $0xFFFFFFFF  }
0xc3: {  	_ =	task.clear_ibuf [dreg:s7], $0x2FFFF;
	_ =	strace $0x9FFFFFFF  }
0xc4: {  	(tm) =	ssettm $0x7FFFFFFF  }
0xc5: {  	_ =	shalt  }
tec
execute0_lowered:
.L_overlay_start_1:
0x0: {  	(tag) =	ssettag $0x1  }
0x1: {  	s1 =	rddreg [dreg:$0x0]  }
0x2: {  	s0 =	rddreg [dreg:$0x1]  }
0x3: {  	s2 =	rddreg [dreg:$0x2]  }
0x4: {  	s4 =	rddreg [dreg:$0x3];
	s3 =	srdreg.scid  }
0x5: {  	s5 =	simm.s32 $0x0;
	s19 =	stileid.u32;
	s28 =	simm.s32 $0x2800  }
0x6: {  	s29 =	simm.s32 $0x6800;
	s30 =	simm.s32 $0xA880;
	s31 =	simm.s32 $0x1  }
0x7: {  	s3 =	sand.u32 $0x1, s3;
	[smem:$0x7FF] =	sst s5;
	s6 =	smul.u32 $0x2700, s19  }
0x8: {  	s8 =	smul.u32 $0x3E8, s19;
	s9 =	sadd.s32 $0x7000, s0;
	s10 =	sadd.s32 $0x2000, s0  }
0x9: {  	s12 =	sadd.s32 $0x11200, s0;
	s25 =	sadd.s32 $0x11000, s0;
	s26 =	smul.u32 $0x500, s19  }
0xa: {  	s14 =	smul.u32 $0x4F000, s19;
	_ =	strace $0x80000047;
	[dreg:$0x5] =	wrdreg s12  }
0xb: {  	s17 =	smul.u32 $0x9E0, s19;
	s7 =	sshll.u32 s3, $0x4;
	[dreg:$0x6] =	wrdreg s25  }
0xc: {  	s13 =	ssub.s32 $0x2, s3;
	s25 =	sadd.s32 $0x62800, s0;
	p0 =	sne.s32 s3, $0x0  }
0xd: {  	p1 =	seq.s32 s3, $0x0;
	s3 =	simm.s32 $0x2;
	s7 =	sor.u32 s19, s7  }
0xe: {  	s6 =	sadd.s32 s6, s0;
	s15 =	sshrl.u32 s8, $0x3;
	s16 =	sshrl.u32 s13, $0x1  }
0xf: {  	s12 =	sadd.s32 s10, s26;
	[dreg:$0xe] =	wrdreg s25;
	p3 =	sne.s32 @p0 s19, $0xF  }
0x10: {  	p5 =	sne.s32 @!p0 s19, $0xF;
	s11 =	smul.u32 $0x500, s7;
	s18 =	sadd.s32 s15, s0  }
0x11: {  	s16 =	ssub.s32 s13, s16;
	s7 =	smul.u32 $0x2800, s7;
	s13 =	sshrl.u32 s14, $0x2  }
0x12: {  	s14 =	smul.u32 $0x2800, s19;
	[dreg:$0x8] =	wrdreg s12;
	s15 =	sshrl.u32 s17, $0x2  }
0x13: {  	s17 =	smul.u32 $0x4E000, s19;
	s23 =	sadd.s32 $0x3B800, s6;
	s6 =	sadd.s32 $0x14600, s6  }
0x14: {  	p2 =	por !p3, !p0;
	p4 =	por !p5, p0;
	s12 =	sadd.s32 s15, s4  }
0x15: {  	[dreg:$0xc] =	wrdreg s23;
	s15 =	sadd.s32 s8, s4;
	s24 =	sadd.s32 $0x14000, s18  }
0x16: {  	[dreg:$0xf] =	wrdreg s6;
	s26 =	sadd.s32 $0x13A00, s18;
	s23 =	simm.s32 $0x3  }
0x17: {  	p2 =	sgt.u32 @!p2 s19, $0x9;
	p4 =	sgt.u32 @!p4 s19, $0x9;
	s6 =	simm.s32 $0x2700  }
0x18: {  	s11 =	sadd.s32 s9, s11;
	s7 =	sshrl.u32 s7, $0x3;
	[dreg:$0x9] =	wrdreg s12  }
0x19: {  	s22 =	sshrl.u32 s17, $0x2;
	[dreg:$0xd] =	wrdreg s24;
	s17 =	sadd.s32 $0x138000, s2  }
0x1a: {  	[dreg:$0x10] =	wrdreg s26;
	s24 =	simm.s32 $0x1400;
	p2 =	por @p0 p2, !p3  }
0x1b: {  	p4 =	por @!p0 p4, !p5;
	p3 =	por p3, !p0;
	p5 =	por p5, p0  }
0x1c: {  	s26 =	simm.s32 $0x80;
	[dreg:$0x7] =	wrdreg s11;
	s11 =	sadd.s32 s13, s2  }
0x1d: {  	s13 =	sshrl.u32 s14, $0x3;
	s7 =	sadd.s32 s9, s7;
	p2 =	por p2, !p0  }
0x1e: {  	p4 =	por p4, p0;
	s20 =	sadd.s32 s10, s13;
	s7 =	sadd.s32 $0x280, s7  }
0x1f: {  	s13 =	sadd.s32 s22, s2;
	s22 =	smax.u32 s16, $0x1;
	s25 =	sshrl.u32 s11, $0x3  }
0x20: {  	[dreg:$0xa] =	wrdreg s7;
	s21 =	sadd.s32 $0x280, s20;
	s7 =	simm.s32 $0x0  }
0x21: {  	v0 =	vimm.f32 $1.000000000e+00;
	[dreg:$0xb] =	wrdreg s21;
	s21 =	sadd.s32 $0x3B600, s0;
	s0 =	simm.s32 $0x4  }
.LBB2_1:
0x22: {  	s8 =	rddreg [dreg:$0x7]  }
0x23: {  	[tilespmem:s5], [sflag:$0x3] =	stream.linear.gather [hbm4b:s8+s5], $0x1400, $0x38;
	[tilespmem:$0x1EAF8] =	vst v63  }
0x24: {  	_ =	swait.ge [sflag:s23], $0x1400  }
0x25: {  	[sflag:s23] =	ssyncset.done $0x0  }
0x26: {  	s12 =	rddreg [dreg:$0x8];
	[sflag:s23] =	ssyncadd.s32 $0xFFFFEC00  }
0x27: {  	[tilespmem:s24], [sflag:$0x3] =	stream.linear.gather [hbm4b:s12+s5], $0x1400, $0x38;
	[tilespmem:$0x1EAF8] =	vst v63  }
0x28: {  	_ =	swait.ge [sflag:s23], $0x1400  }
0x29: {  	s14 =	stileid.u32;
	[sflag:s23] =	ssyncset.done $0x0  }
0x2a: {  	s8 =	sshll.u32 s14, $0x6;
	[sflag:s23] =	ssyncadd.s32 $0xFFFFEC00  }
0x2b: {  	[tilespmem:s28], [sflag:$0x1] =	stream.indirect.gather [hbm4b:s1+s26], $0x80, s5, s26, $0xb8;
	[tilespmem:$0x1EAF8] =	vst v63  }
0x2c: {  	s8 =	sor.u32 $0x1C03, s8;
	s9 =	rddreg [dreg:$0x5]  }
0x2d: {  	[tilespmem:s29], [sflag:$0x2] =	stream.indirect.gather [hbm4b:s1+s26], $0x80, s26, s26, $0xb8;
	[tilespmem:$0x1EAF8] =	vst v63  }
0x2e: {  	[spmem:s25], [sflag:s8] =	dma.local [hbm:s9], $0x2780  }
0x2f: {  	_ =	swait.ge [sflag:s23], $0x2780  }
0x30: {  	[sflag:s23] =	ssyncset.done $0x0  }
0x31: {  	s16 =	rddreg [dreg:$0x6];
	[sflag:s23] =	ssyncadd.s32 $0xFFFFD880  }
0x32: {  	[tilespmem:s30], [sflag:$0x3] =	stream.linear.gather [hbm4b:s16+s5], $0x278, $0x38;
	[tilespmem:$0x1EAF8] =	vst v63  }
0x33: {  	_ =	swait.ge [sflag:s23], $0x278  }
0x34: {  	[sflag:s23] =	ssyncset.done $0x0  }
0x35: {  	s18 =	rddreg [dreg:$0x9];
	[sflag:s23] =	ssyncadd.s32 $0xFFFFFD88  }
0x36: {  	[spmem:s18] =	stream.linear.scatter [tilespmem:s30], [sflag:$0x3], $0x278, $0x38;
	[tilespmem:$0x1EAF8] =	vst v63  }
0x37: {  	_ =	swait.ge [sflag:s23], $0x278  }
0x38: {  	[sflag:s23] =	ssyncset.done $0x0  }
0x39: {  	[sflag:s23] =	ssyncadd.s32 $0xFFFFFD88  }
0x3a: {  	[tilespmem:$0xA800] =	vst v0  }
0x3b: {  	[tilespmem:$0xA810] =	vst v0  }
0x3c: {  	[tilespmem:$0xA820] =	vst v0  }
0x3d: {  	[tilespmem:$0xA830] =	vst v0  }
0x3e: {  	[tilespmem:$0xA840] =	vst v0  }
0x3f: {  	[tilespmem:$0xA850] =	vst v0  }
0x40: {  	[tilespmem:$0xA860] =	vst v0  }
0x41: {  	[tilespmem:$0xA870] =	vst v0  }
0x42: {  	[bflag:$0x0] =	sbarrier.arrive $0xFFFF  }
0x43: {  	_ =	swait.ge [sflag:s31], $0x4000  }
0x44: {  	[sflag:s31] =	ssyncset.done $0x0  }
0x45: {  	s12 =	simm.s32 $0x1400;
	[sflag:s31] =	ssyncadd.s32 $0xFFFFC000  }
0x46: {  	[spmem:s2] =	stream.indirect.scatter.add.f32 [tilespmem:s28], [sflag:$0x4], $0x80, s12, s26, $0xb8;
	[tilespmem:$0x1EAF8] =	vst v63  }
0x47: {  	_ =	swait.ge [sflag:s0], $0x4000  }
0x48: {  	[sflag:s0] =	ssyncset.done $0x0  }
0x49: {  	s19 =	simm.s32 $0x100;
	[sflag:s0] =	ssyncadd.s32 $0xFFFFC000  }
0x4a: {  	[tilespmem:s28], [sflag:$0x1] =	stream.indirect.gather [hbm4b:s1+s26], $0x80, s19, s26, $0xb8;
	[tilespmem:$0x1EAF8] =	vst v63  }
0x4b: {  	s10 =	simm.s32 @!p0 $0xA800;
	s11 =	simm.s32 @!p0 $0x4;
	s9 =	simm.s32 @!p0 $0x80  }
0x4c: {  	[spmem:s4] =	stream.indirect.scatter.add.f32 @!p0 [tilespmem:s10], [sflag:$0x4], $0x1, s12, s9, $0xb8;
	[tilespmem:$0x1EAF8] =	vst v63  }
0x4d: {  	_ =	swait.ge @!p0 [sflag:s11], $0x80  }
0x4e: {  	[sflag:s11] =	ssyncset.done @!p0 $0x0  }
0x4f: {  	[sflag:s11] =	ssyncadd.s32 @!p0 $0xFFFFFF80  }
0x50: {  	_ =	swait.ge [sflag:s3], $0x4000  }
0x51: {  	[sflag:s3] =	ssyncset.done $0x0  }
0x52: {  	s18 =	simm.s32 $0x1480;
	[sflag:s3] =	ssyncadd.s32 $0xFFFFC000  }
0x53: {  	[spmem:s2] =	stream.indirect.scatter.add.f32 [tilespmem:s29], [sflag:$0x4], $0x80, s18, s26, $0xb8;
	[tilespmem:$0x1EAF8] =	vst v63  }
0x54: {  	_ =	swait.ge [sflag:s0], $0x4000  }
0x55: {  	[sflag:s0] =	ssyncset.done $0x0  }
0x56: {  	s20 =	simm.s32 $0x180;
	[sflag:s0] =	ssyncadd.s32 $0xFFFFC000  }
0x57: {  	[tilespmem:s29], [sflag:$0x2] =	stream.indirect.gather [hbm4b:s1+s26], $0x80, s20, s26, $0xb8;
	[tilespmem:$0x1EAF8] =	vst v63  }
0x58: {  	s14 =	simm.s32 @!p1 $0x3;
	s16 =	simm.s32 @!p1 $0xA800;
	s12 =	simm.s32 @!p1 $0x80  }
0x59: {  	[spmem:s4] =	stream.indirect.scatter.add.f32 @!p1 [tilespmem:s16], [sflag:$0x3], $0x1, s18, s12, $0xb8;
	[tilespmem:$0x1EAF8] =	vst v63  }
0x5a: {  	_ =	swait.ge @!p1 [sflag:s14], $0x80  }
0x5b: {  	s18 =	simm.s32 $0x800;
	[sflag:s14] =	ssyncset.done @!p1 $0x0  }
.LBB2_2:
0x5c: {  	[sflag:s14] =	ssyncadd.s32 @!p1 $0xFFFFFF80;
	s19 =	smov.u32 s18;
	s18 =	sadd.s32 $0x400, s18  }
0x5d: {  	p6 =	sne.s32 s18, $0x5000  }
0x5e: {  	_ =	swait.ge [sflag:s31], $0x4000  }
0x5f: {  	s19 =	sshra.s32 s19, $0x2;
	[sflag:s31] =	ssyncset.done $0x0  }
0x60: {  	s20 =	sadd.s32 $0x1300, s19;
	[sflag:s31] =	ssyncadd.s32 $0xFFFFC000  }
0x61: {  	[spmem:s2] =	stream.indirect.scatter.add.f32 [tilespmem:s28], [sflag:$0x4], $0x80, s20, s26, $0xb8;
	[tilespmem:$0x1EAF8] =	vst v63  }
0x62: {  	_ =	swait.ge [sflag:s0], $0x4000  }
0x63: {  	[sflag:s0] =	ssyncset.done $0x0  }
0x64: {  	[sflag:s0] =	ssyncadd.s32 $0xFFFFC000  }
0x65: {  	[tilespmem:s28], [sflag:$0x1] =	stream.indirect.gather [hbm4b:s1+s26], $0x80, s19, s26, $0xb8;
	[tilespmem:$0x1EAF8] =	vst v63  }
0x66: {  	_ = 	snop  }
0x67: {  	[spmem:s4] =	stream.indirect.scatter.add.f32 @!p0 [tilespmem:s10], [sflag:$0x4], $0x1, s20, s9, $0xb8;
	[tilespmem:$0x1EAF8] =	vst v63  }
0x68: {  	_ =	swait.ge @!p0 [sflag:s11], $0x80  }
0x69: {  	[sflag:s11] =	ssyncset.done @!p0 $0x0  }
0x6a: {  	[sflag:s11] =	ssyncadd.s32 @!p0 $0xFFFFFF80  }
0x6b: {  	_ =	swait.ge [sflag:s3], $0x4000  }
0x6c: {  	[sflag:s3] =	ssyncset.done $0x0  }
0x6d: {  	s20 =	sadd.s32 $0x1380, s19;
	[sflag:s3] =	ssyncadd.s32 $0xFFFFC000  }
0x6e: {  	[spmem:s2] =	stream.indirect.scatter.add.f32 [tilespmem:s29], [sflag:$0x4], $0x80, s20, s26, $0xb8;
	[tilespmem:$0x1EAF8] =	vst v63  }
0x6f: {  	_ =	swait.ge [sflag:s0], $0x4000  }
0x70: {  	[sflag:s0] =	ssyncset.done $0x0  }
0x71: {  	s19 =	sadd.s32 $0x80, s19;
	[sflag:s0] =	ssyncadd.s32 $0xFFFFC000  }
0x72: {  	[tilespmem:s29], [sflag:$0x2] =	stream.indirect.gather [hbm4b:s1+s26], $0x80, s19, s26, $0xb8;
	[tilespmem:$0x1EAF8] =	vst v63  }
.Ltmp0:
0x73: {  	_ = 	snop;
	(pc) =	sbr.rel @p6 .LBB2_2-.Ltmp0, $4  }
0x74: {  	_ = 	snop  }
0x75: {  	[spmem:s4] =	stream.indirect.scatter.add.f32 @!p1 [tilespmem:s16], [sflag:$0x3], $0x1, s20, s12, $0xb8;
	[tilespmem:$0x1EAF8] =	vst v63  }
0x76: {  	_ =	swait.ge @!p1 [sflag:s14], $0x80  }
0x77: {  	[sflag:s14] =	ssyncset.done @!p1 $0x0  }
0x78: {  	[sflag:s14] =	ssyncadd.s32 @!p1 $0xFFFFFF80  }
0x79: {  	_ =	swait.ge [sflag:s31], $0x4000  }
0x7a: {  	[sflag:s31] =	ssyncset.done $0x0  }
0x7b: {  	[sflag:s31] =	ssyncadd.s32 $0xFFFFC000  }
0x7c: {  	[spmem:s2] =	stream.indirect.scatter.add.f32 [tilespmem:s28], [sflag:$0x3], $0x80, s6, s26, $0xb8;
	[tilespmem:$0x1EAF8] =	vst v63  }
0x7d: {  	_ =	swait.ge [sflag:s23], $0x4000  }
0x7e: {  	[sflag:s23] =	ssyncset.done $0x0  }
0x7f: {  	s11 =	simm.s32 @p0 $0x2;
	[sflag:s23] =	ssyncadd.s32 $0xFFFFC000  }
0x80: {  	_ =	swait.ge @p0 [sflag:s11], $0x4000  }
0x81: {  	s12 =	simm.s32 @p0 $0x2780;
	[sflag:s11] =	ssyncset.done @p0 $0x0  }
0x82: {  	s14 =	simm.s32 @p0 $0x6800;
	[sflag:s11] =	ssyncadd.s32 @p0 $0xFFFFC000;
	s11 =	simm.s32 @p0 $0x80  }
0x83: {  	[spmem:s2] =	stream.indirect.scatter.add.f32 @p0 [tilespmem:s14], [sflag:$0x3], $0x80, s12, s11, $0xb8;
	[tilespmem:$0x1EAF8] =	vst v63  }
0x84: {  	s14 =	simm.s32 @p0 $0x3  }
0x85: {  	_ =	swait.ge @p0 [sflag:s14], $0x4000  }
0x86: {  	[sflag:s14] =	ssyncset.done @p0 $0x0  }
0x87: {  	s16 =	simm.s32 @p0 $0xA800;
	[sflag:s14] =	ssyncadd.s32 @p0 $0xFFFFC000  }
0x88: {  	[spmem:s4] =	stream.indirect.scatter.add.f32 @p0 [tilespmem:s16], [sflag:$0x3], $0x1, s12, s11, $0xb8;
	[tilespmem:$0x1EAF8] =	vst v63  }
0x89: {  	_ =	swait.ge @p0 [sflag:s14], $0x80  }
0x8a: {  	[sflag:s14] =	ssyncset.done @p0 $0x0  }
0x8b: {  	s11 =	simm.s32 @!p0 $0x2700;
	[sflag:s14] =	ssyncadd.s32 @p0 $0xFFFFFF80  }
0x8c: {  	[spmem:s4] =	stream.indirect.scatter.add.f32 @!p0 [tilespmem:s10], [sflag:$0x3], $0x1, s11, s9, $0xb8;
	[tilespmem:$0x1EAF8] =	vst v63  }
0x8d: {  	s10 =	simm.s32 @!p0 $0x3  }
0x8e: {  	_ =	swait.ge @!p0 [sflag:s10], $0x80  }
0x8f: {  	[sflag:s10] =	ssyncset.done @!p0 $0x0  }
0x90: {  	s11 =	simm.s32 @!p0 $0x2;
	[sflag:s10] =	ssyncadd.s32 @!p0 $0xFFFFFF80  }
0x91: {  	_ =	swait.ge @!p0 [sflag:s11], $0x4000  }
0x92: {  	[sflag:s11] =	ssyncset.done @!p0 $0x0  }
0x93: {  	s12 =	simm.s32 @!p0 $0x6800;
	[sflag:s11] =	ssyncadd.s32 @!p0 $0xFFFFC000;
	s11 =	simm.s32 @!p0 $0x2780  }
0x94: {  	[spmem:s2] =	stream.indirect.scatter.add.f32 @!p0 [tilespmem:s12], [sflag:$0x3], $0x80, s11, s9, $0xb8;
	[tilespmem:$0x1EAF8] =	vst v63  }
0x95: {  	_ =	swait.ge @!p0 [sflag:s10], $0x4000  }
0x96: {  	[sflag:s10] =	ssyncset.done @!p0 $0x0  }
0x97: {  	s16 =	rddreg [dreg:$0xa];
	[sflag:s10] =	ssyncadd.s32 @!p0 $0xFFFFC000  }
0x98: {  	[tilespmem:s5], [sflag:$0x3] =	stream.linear.gather [hbm4b:s16+s5], $0x1400, $0x38;
	[tilespmem:$0x1EAF8] =	vst v63  }
0x99: {  	_ =	swait.ge [sflag:s23], $0x1400  }
0x9a: {  	[sflag:s23] =	ssyncset.done $0x0  }
0x9b: {  	s18 =	rddreg [dreg:$0xb];
	[sflag:s23] =	ssyncadd.s32 $0xFFFFEC00  }
0x9c: {  	[tilespmem:s24], [sflag:$0x3] =	stream.linear.gather [hbm4b:s18+s5], $0x1400, $0x38;
	[tilespmem:$0x1EAF8] =	vst v63  }
0x9d: {  	_ =	swait.ge [sflag:s23], $0x1400  }
0x9e: {  	[sflag:s23] =	ssyncset.done $0x0  }
0x9f: {  	[sflag:s23] =	ssyncadd.s32 $0xFFFFEC00  }
0xa0: {  	[tilespmem:s28], [sflag:$0x1] =	stream.indirect.gather [hbm4b:s1+s26], $0x80, s5, s26, $0xb8;
	[tilespmem:$0x1EAF8] =	vst v63  }
0xa1: {  	_ = 	snop  }
0xa2: {  	[tilespmem:s29], [sflag:$0x2] =	stream.indirect.gather [hbm4b:s1+s26], $0x80, s26, s26, $0xb8;
	[tilespmem:$0x1EAF8] =	vst v63  }
0xa3: {  	_ =	swait.ge [sflag:s31], $0x4000  }
0xa4: {  	[sflag:s31] =	ssyncset.done $0x0  }
0xa5: {  	s12 =	simm.s32 $0x1400;
	[sflag:s31] =	ssyncadd.s32 $0xFFFFC000  }
0xa6: {  	[spmem:s2] =	stream.indirect.scatter.add.f32 [tilespmem:s28], [sflag:$0x4], $0x80, s12, s26, $0xb8;
	[tilespmem:$0x1EAF8] =	vst v63  }
0xa7: {  	_ =	swait.ge [sflag:s0], $0x4000  }
0xa8: {  	[sflag:s0] =	ssyncset.done $0x0  }
0xa9: {  	s19 =	simm.s32 $0x100;
	[sflag:s0] =	ssyncadd.s32 $0xFFFFC000  }
0xaa: {  	[tilespmem:s28], [sflag:$0x1] =	stream.indirect.gather [hbm4b:s1+s26], $0x80, s19, s26, $0xb8;
	[tilespmem:$0x1EAF8] =	vst v63  }
0xab: {  	s9 =	simm.s32 @!p0 $0x80;
	s11 =	simm.s32 @!p0 $0x4;
	s10 =	simm.s32 @!p0 $0xA800  }
0xac: {  	[spmem:s4] =	stream.indirect.scatter.add.f32 @!p0 [tilespmem:s10], [sflag:$0x4], $0x1, s12, s9, $0xb8;
	[tilespmem:$0x1EAF8] =	vst v63  }
0xad: {  	_ =	swait.ge @!p0 [sflag:s11], $0x80  }
0xae: {  	[sflag:s11] =	ssyncset.done @!p0 $0x0  }
0xaf: {  	[sflag:s11] =	ssyncadd.s32 @!p0 $0xFFFFFF80  }
0xb0: {  	_ =	swait.ge [sflag:s3], $0x4000  }
0xb1: {  	[sflag:s3] =	ssyncset.done $0x0  }
0xb2: {  	s18 =	simm.s32 $0x1480;
	[sflag:s3] =	ssyncadd.s32 $0xFFFFC000  }
0xb3: {  	[spmem:s2] =	stream.indirect.scatter.add.f32 [tilespmem:s29], [sflag:$0x4], $0x80, s18, s26, $0xb8;
	[tilespmem:$0x1EAF8] =	vst v63  }
0xb4: {  	_ =	swait.ge [sflag:s0], $0x4000  }
0xb5: {  	[sflag:s0] =	ssyncset.done $0x0  }
0xb6: {  	s20 =	simm.s32 $0x180;
	[sflag:s0] =	ssyncadd.s32 $0xFFFFC000  }
0xb7: {  	[tilespmem:s29], [sflag:$0x2] =	stream.indirect.gather [hbm4b:s1+s26], $0x80, s20, s26, $0xb8;
	[tilespmem:$0x1EAF8] =	vst v63  }
0xb8: {  	s14 =	simm.s32 @!p1 $0x3;
	s16 =	simm.s32 @!p1 $0xA800;
	s12 =	simm.s32 @!p1 $0x80  }
0xb9: {  	[spmem:s4] =	stream.indirect.scatter.add.f32 @!p1 [tilespmem:s16], [sflag:$0x3], $0x1, s18, s12, $0xb8;
	[tilespmem:$0x1EAF8] =	vst v63  }
0xba: {  	_ =	swait.ge @!p1 [sflag:s14], $0x80  }
0xbb: {  	s18 =	simm.s32 $0x800;
	[sflag:s14] =	ssyncset.done @!p1 $0x0  }
.LBB2_4:
0xbc: {  	[sflag:s14] =	ssyncadd.s32 @!p1 $0xFFFFFF80;
	s19 =	smov.u32 s18;
	s18 =	sadd.s32 $0x400, s18  }
0xbd: {  	p6 =	sne.s32 s18, $0x5000  }
0xbe: {  	_ =	swait.ge [sflag:s31], $0x4000  }
0xbf: {  	s19 =	sshra.s32 s19, $0x2;
	[sflag:s31] =	ssyncset.done $0x0  }
0xc0: {  	s20 =	sadd.s32 $0x1300, s19;
	[sflag:s31] =	ssyncadd.s32 $0xFFFFC000  }
0xc1: {  	[spmem:s2] =	stream.indirect.scatter.add.f32 [tilespmem:s28], [sflag:$0x4], $0x80, s20, s26, $0xb8;
	[tilespmem:$0x1EAF8] =	vst v63  }
0xc2: {  	_ =	swait.ge [sflag:s0], $0x4000  }
0xc3: {  	[sflag:s0] =	ssyncset.done $0x0  }
0xc4: {  	[sflag:s0] =	ssyncadd.s32 $0xFFFFC000  }
0xc5: {  	[tilespmem:s28], [sflag:$0x1] =	stream.indirect.gather [hbm4b:s1+s26], $0x80, s19, s26, $0xb8;
	[tilespmem:$0x1EAF8] =	vst v63  }
0xc6: {  	_ = 	snop  }
0xc7: {  	[spmem:s4] =	stream.indirect.scatter.add.f32 @!p0 [tilespmem:s10], [sflag:$0x4], $0x1, s20, s9, $0xb8;
	[tilespmem:$0x1EAF8] =	vst v63  }
0xc8: {  	_ =	swait.ge @!p0 [sflag:s11], $0x80  }
0xc9: {  	[sflag:s11] =	ssyncset.done @!p0 $0x0  }
0xca: {  	[sflag:s11] =	ssyncadd.s32 @!p0 $0xFFFFFF80  }
0xcb: {  	_ =	swait.ge [sflag:s3], $0x4000  }
0xcc: {  	[sflag:s3] =	ssyncset.done $0x0  }
0xcd: {  	s20 =	sadd.s32 $0x1380, s19;
	[sflag:s3] =	ssyncadd.s32 $0xFFFFC000  }
0xce: {  	[spmem:s2] =	stream.indirect.scatter.add.f32 [tilespmem:s29], [sflag:$0x4], $0x80, s20, s26, $0xb8;
	[tilespmem:$0x1EAF8] =	vst v63  }
0xcf: {  	_ =	swait.ge [sflag:s0], $0x4000  }
0xd0: {  	[sflag:s0] =	ssyncset.done $0x0  }
0xd1: {  	s19 =	sadd.s32 $0x80, s19;
	[sflag:s0] =	ssyncadd.s32 $0xFFFFC000  }
0xd2: {  	[tilespmem:s29], [sflag:$0x2] =	stream.indirect.gather [hbm4b:s1+s26], $0x80, s19, s26, $0xb8;
	[tilespmem:$0x1EAF8] =	vst v63  }
.Ltmp1:
0xd3: {  	_ = 	snop;
	(pc) =	sbr.rel @p6 .LBB2_4-.Ltmp1, $4  }
0xd4: {  	_ = 	snop  }
0xd5: {  	[spmem:s4] =	stream.indirect.scatter.add.f32 @!p1 [tilespmem:s16], [sflag:$0x3], $0x1, s20, s12, $0xb8;
	[tilespmem:$0x1EAF8] =	vst v63  }
0xd6: {  	_ =	swait.ge @!p1 [sflag:s14], $0x80  }
0xd7: {  	[sflag:s14] =	ssyncset.done @!p1 $0x0  }
0xd8: {  	[sflag:s14] =	ssyncadd.s32 @!p1 $0xFFFFFF80  }
0xd9: {  	_ =	swait.ge [sflag:s31], $0x4000  }
0xda: {  	[sflag:s31] =	ssyncset.done $0x0  }
0xdb: {  	[sflag:s31] =	ssyncadd.s32 $0xFFFFC000  }
0xdc: {  	[spmem:s2] =	stream.indirect.scatter.add.f32 [tilespmem:s28], [sflag:$0x3], $0x80, s6, s26, $0xb8;
	[tilespmem:$0x1EAF8] =	vst v63  }
0xdd: {  	_ =	swait.ge [sflag:s23], $0x4000  }
0xde: {  	[sflag:s23] =	ssyncset.done $0x0  }
0xdf: {  	s11 =	simm.s32 @p0 $0x2;
	[sflag:s23] =	ssyncadd.s32 $0xFFFFC000  }
0xe0: {  	_ =	swait.ge @p0 [sflag:s11], $0x4000  }
0xe1: {  	s12 =	simm.s32 @p0 $0x2780;
	[sflag:s11] =	ssyncset.done @p0 $0x0  }
0xe2: {  	s14 =	simm.s32 @p0 $0x6800;
	[sflag:s11] =	ssyncadd.s32 @p0 $0xFFFFC000;
	s11 =	simm.s32 @p0 $0x80  }
0xe3: {  	[spmem:s2] =	stream.indirect.scatter.add.f32 @p0 [tilespmem:s14], [sflag:$0x3], $0x80, s12, s11, $0xb8;
	[tilespmem:$0x1EAF8] =	vst v63  }
0xe4: {  	s14 =	simm.s32 @p0 $0x3  }
0xe5: {  	_ =	swait.ge @p0 [sflag:s14], $0x4000  }
0xe6: {  	[sflag:s14] =	ssyncset.done @p0 $0x0  }
0xe7: {  	s16 =	simm.s32 @p0 $0xA800;
	[sflag:s14] =	ssyncadd.s32 @p0 $0xFFFFC000  }
0xe8: {  	[spmem:s4] =	stream.indirect.scatter.add.f32 @p0 [tilespmem:s16], [sflag:$0x3], $0x1, s12, s11, $0xb8;
	[tilespmem:$0x1EAF8] =	vst v63  }
0xe9: {  	_ =	swait.ge @p0 [sflag:s14], $0x80  }
0xea: {  	[sflag:s14] =	ssyncset.done @p0 $0x0  }
0xeb: {  	[sflag:s14] =	ssyncadd.s32 @p0 $0xFFFFFF80  }
0xec: {  	[bflag:$0x0] =	sbarrier.arrive @p0 $0xFFFF  }
0xed: {  	s11 =	sshrl.u32 @p0 s13, $0x3;
	s12 =	rddreg [dreg:$0xc]  }
0xee: {  	[hbm:s12], [sflag:s8] =	dma.local @p0 [spmem:s11], $0x2700  }
0xef: {  	_ =	swait.ge @p0 [sflag:s14], $0x2700  }
0xf0: {  	[sflag:s14] =	ssyncset.done @p0 $0x0  }
0xf1: {  	s11 =	simm.s32 @!p2 $0xA880;
	s12 =	simm.s32 @!p2 $0x3;
	[sflag:s14] =	ssyncadd.s32 @p0 $0xFFFFD900  }
0xf2: {  	[tilespmem:s11], [sflag:$0x3] =	stream.linear.gather @!p2 [spmem:s15], $0x3E8, $0x38;
	[tilespmem:$0x1EAF8] =	vst v63  }
0xf3: {  	_ =	swait.ge @!p2 [sflag:s12], $0x3E8  }
0xf4: {  	[sflag:s12] =	ssyncset.done @!p2 $0x0  }
0xf5: {  	s14 =	simm.s32 @!p2 $0x0;
	s16 =	rddreg [dreg:$0xd];
	[sflag:s12] =	ssyncadd.s32 @!p2 $0xFFFFFC18  }
0xf6: {  	[hbm4b:s16+s14] =	stream.linear.scatter @!p2 [tilespmem:s11], [sflag:$0x3], $0x3E8, $0x38;
	[tilespmem:$0x1EAF8] =	vst v63  }
0xf7: {  	_ =	swait.ge @!p2 [sflag:s12], $0x3E8  }
0xf8: {  	[sflag:s12] =	ssyncset.done @!p2 $0x0  }
0xf9: {  	s11 =	sshrl.u32 @!p3 s17, $0x3;
	[sflag:s12] =	ssyncadd.s32 @!p2 $0xFFFFFC18;
	s12 =	rddreg [dreg:$0xe]  }
0xfa: {  	[hbm:s12], [sflag:s8] =	dma.local @!p3 [spmem:s11], $0x100  }
0xfb: {  	s11 =	simm.s32 @!p3 $0x3  }
0xfc: {  	_ =	swait.ge @!p3 [sflag:s11], $0x100  }
0xfd: {  	[sflag:s11] =	ssyncset.done @!p3 $0x0  }
0xfe: {  	[sflag:s11] =	ssyncadd.s32 @!p3 $0xFFFFFF00;
	s11 =	simm.s32 @!p0 $0x2700  }
0xff: {  	[spmem:s4] =	stream.indirect.scatter.add.f32 @!p0 [tilespmem:s10], [sflag:$0x3], $0x1, s11, s9, $0xb8;
	[tilespmem:$0x1EAF8] =	vst v63  }
0x100: {  	s10 =	simm.s32 @!p0 $0x3  }
0x101: {  	_ =	swait.ge @!p0 [sflag:s10], $0x80  }
0x102: {  	[sflag:s10] =	ssyncset.done @!p0 $0x0  }
0x103: {  	s11 =	simm.s32 @!p0 $0x2;
	[sflag:s10] =	ssyncadd.s32 @!p0 $0xFFFFFF80  }
0x104: {  	_ =	swait.ge @!p0 [sflag:s11], $0x4000  }
0x105: {  	[sflag:s11] =	ssyncset.done @!p0 $0x0  }
0x106: {  	s12 =	simm.s32 @!p0 $0x6800;
	[sflag:s11] =	ssyncadd.s32 @!p0 $0xFFFFC000;
	s11 =	simm.s32 @!p0 $0x2780  }
0x107: {  	[spmem:s2] =	stream.indirect.scatter.add.f32 @!p0 [tilespmem:s12], [sflag:$0x3], $0x80, s11, s9, $0xb8;
	[tilespmem:$0x1EAF8] =	vst v63  }
0x108: {  	_ =	swait.ge @!p0 [sflag:s10], $0x4000  }
0x109: {  	[sflag:s10] =	ssyncset.done @!p0 $0x0  }
0x10a: {  	[sflag:s10] =	ssyncadd.s32 @!p0 $0xFFFFC000  }
0x10b: {  	[bflag:$0x0] =	sbarrier.arrive @!p0 $0xFFFF  }
0x10c: {  	s9 =	sshrl.u32 @!p0 s13, $0x3;
	s11 =	rddreg [dreg:$0xf]  }
0x10d: {  	[hbm:s11], [sflag:s8] =	dma.local @!p0 [spmem:s9], $0x2700  }
0x10e: {  	_ =	swait.ge @!p0 [sflag:s10], $0x2700  }
0x10f: {  	[sflag:s10] =	ssyncset.done @!p0 $0x0  }
0x110: {  	s9 =	simm.s32 @!p4 $0xA880;
	[sflag:s10] =	ssyncadd.s32 @!p0 $0xFFFFD900;
	s10 =	simm.s32 @!p4 $0x3  }
0x111: {  	[tilespmem:s9], [sflag:$0x3] =	stream.linear.gather @!p4 [spmem:s15], $0x3E8, $0x38;
	[tilespmem:$0x1EAF8] =	vst v63  }
0x112: {  	_ =	swait.ge @!p4 [sflag:s10], $0x3E8  }
0x113: {  	[sflag:s10] =	ssyncset.done @!p4 $0x0  }
0x114: {  	s11 =	simm.s32 @!p4 $0x0;
	s12 =	rddreg [dreg:$0x10];
	[sflag:s10] =	ssyncadd.s32 @!p4 $0xFFFFFC18  }
0x115: {  	[hbm4b:s12+s11] =	stream.linear.scatter @!p4 [tilespmem:s9], [sflag:$0x3], $0x3E8, $0x38;
	[tilespmem:$0x1EAF8] =	vst v63  }
0x116: {  	_ =	swait.ge @!p4 [sflag:s10], $0x3E8  }
0x117: {  	s7 =	sadd.s32 $0x1, s7;
	[sflag:s10] =	ssyncset.done @!p4 $0x0  }
0x118: {  	p6 =	sne.s32 s7, s22;
	s9 =	sshrl.u32 @!p5 s17, $0x3;
	[sflag:s10] =	ssyncadd.s32 @!p4 $0xFFFFFC18  }
0x119: {  	[hbm:s21], [sflag:s8] =	dma.local @!p5 [spmem:s9], $0x100  }
.Ltmp2:
0x11a: {  	_ = 	snop;
	(pc) =	sbr.rel @p6 .LBB2_1-.Ltmp2, $4  }
0x11b: {  	s8 =	simm.s32 @!p5 $0x3  }
0x11c: {  	_ =	swait.ge @!p5 [sflag:s8], $0x100  }
0x11d: {  	[sflag:s8] =	ssyncset.done @!p5 $0x0  }
0x11e: {  	[sflag:s8] =	ssyncadd.s32 @!p5 $0xFFFFFF00  }
0x11f: {  	_ =	sfence.sel $0x180000  }
0x120: {  	[bflag:$0x0] =	sbarrier.arrive $0xFFFF  }
0x121: {  	_ =	strace $0x90000047  }
0x122: {  	s0 =	stileid.u32;
	[bflag:$0x2] =	sbarrier.arrive $0xFFFF  }
0x123: {  	p0 =	sne.s32 s0, $0x0;
	s0 =	rddreg [dreg:$0x4]  }
0x124: {  	s0 =	sadd.s32 @!p0 $0x100000, s0  }
0x125: {  	[sflag:s0] =	ssyncadd.tile.s32 @!p0 $0x1;
	_ =	shalt  }
.Lfunc_end2:
_tile_overlayer_lowered:
.L_overlay_start_2:
0x126: {  	(tag) =	ssettag $0x2  }
0x127: {  	s0 =	rddreg [dreg:$0x0];
	s2 =	stileid.u32  }
0x128: {  	s1 =	rddreg [dreg:$0x1];
	p0 =	sne.s32 s2, $0x0  }
0x129: {  	s3 =	rddreg [dreg:$0x2];
	[bflag:$0x3] =	sbarrier.arrive $0xFFFF;
	s2 =	simm.s32 @!p0 $0x1C03  }
0x12a: {  	[timem:s3], [sflag:s2] =	dma.local @!p0 [hbm:s0], s1  }
0x12b: {  	s0 =	simm.s32 @!p0 $0x3  }
0x12c: {  	_ =	swait.ge @!p0 [sflag:s0], s1  }
0x12d: {  	s1 =	ssub.s32 @!p0 $0x0, s1;
	[sflag:s0] =	ssyncset.done @!p0 $0x0  }
0x12e: {  	[sflag:s0] =	ssyncadd.s32 @!p0 s1  }
0x12f: {  	[bflag:$0x3] =	sbarrier.arrive $0xFFFF  }
0x130: {  	_ =	shalt  }

</sc_bundles>
